<compile_context>
chip_gen: v7x
topology: tpu7x:2x2x1
jax: 0.10.2.dev20260603
libtpu: 0.0.44.dev20260713+nightly
codegen_flags: <defaults>
</compile_context>

<pallas_src>
import functools

import jax
import jax.numpy as jnp
from jax import lax
from jax.experimental import pallas as pl
from jax.experimental.pallas import tpu as pltpu
from jax.experimental.pallas import tpu_sc as plsc

N = 10000
D = 128
E = 320000
EPS = 1e-5
NC = 2
NS = 16
NW = NC * NS
CH = 128
NCHUNK = E // CH
CBASE = NCHUNK // NW
NEXTRA = NCHUNK - CBASE * NW
NACC = 10240
RPT = NACC // NS


def _tile_range(w):
    base = w * CBASE
    has_extra = w < NEXTRA
    return base, has_extra


def _mesh():
    return plsc.VectorSubcoreMesh(core_axis_name="c", subcore_axis_name="s")


def _deg_partials(ei3):

    @functools.partial(
        pl.kernel,
        out_type=jax.ShapeDtypeStruct((NC, NACC), jnp.float32),
        mesh=_mesh(),
        scratch_types=[
            pltpu.VMEM((CBASE + 1, 2, CH), jnp.int32),
            pltpu.VMEM((CH,), jnp.float32),
            pltpu.VMEM((RPT,), jnp.float32),
            pltpu.VMEM_SHARED((NACC,), jnp.float32),
            pltpu.SemaphoreType.DMA,
        ],
    )
    def k(ei_hbm, out_hbm, idx_v, ones_v, zeros_v, deg_sh, semd):
        c = lax.axis_index("c")
        s = lax.axis_index("s")
        w = s * NC + c
        base, has_extra = _tile_range(w)

        def fill_zeros(i, _):
            zeros_v[pl.ds(i * 16, 16)] = jnp.zeros((16,), jnp.float32)
            return 0

        lax.fori_loop(0, RPT // 16, fill_zeros, 0)

        def fill_ones(i, _):
            ones_v[pl.ds(i * 16, 16)] = jnp.ones((16,), jnp.float32)
            return 0

        lax.fori_loop(0, CH // 16, fill_ones, 0)

        pltpu.sync_copy(zeros_v, deg_sh.at[pl.ds(s * RPT, RPT)])
        plsc.subcore_barrier()

        pltpu.sync_copy(ei_hbm.at[pl.ds(base, CBASE)],
                        idx_v.at[pl.ds(0, CBASE)])

        @pl.when(has_extra)
        def _():
            pltpu.sync_copy(ei_hbm.at[pl.ds(NW * CBASE + w, 1)],
                            idx_v.at[pl.ds(CBASE, 1)])

        def body(j, _):
            pltpu.async_copy(ones_v, deg_sh.at[idx_v.at[j, 1]], semd,
                             add=True)
            return 0

        lax.fori_loop(0, CBASE, body, 0)

        def drain(j, _):
            pltpu.make_async_copy(ones_v, deg_sh.at[idx_v.at[0, 1]],
                                  semd).wait()
            return 0

        @pl.when(has_extra)
        def _():
            lax.fori_loop(CBASE, CBASE + 1, body, 0)
            lax.fori_loop(0, 1, drain, 0)

        lax.fori_loop(0, CBASE, drain, 0)
        plsc.subcore_barrier()
        pltpu.sync_copy(deg_sh.at[pl.ds(s * RPT, RPT)],
                        out_hbm.at[c, pl.ds(s * RPT, RPT)])

    return k(ei3)


SEG = 26
HCH = CH // 2


def _scatter_partials(hs, ei3):

    @functools.partial(
        pl.kernel,
        out_type=jax.ShapeDtypeStruct((NC, NACC, D), jnp.float32),
        mesh=_mesh(),
        scratch_types=[
            pltpu.VMEM((SEG + 1, 2, CH), jnp.int32),
            [pltpu.VMEM((CH, D), jnp.float32)] * 2,
            pltpu.VMEM_SHARED((NACC, D), jnp.float32),
            [pltpu.SemaphoreType.DMA] * 2,
            [pltpu.SemaphoreType.DMA] * 2,
        ],
    )
    def k(hs_hbm, ei_hbm, out_hbm, idx_v, rows, acc_sh, semg, sems):
        c = lax.axis_index("c")
        s = lax.axis_index("s")
        w = s * NC + c
        tbase, has_extra = _tile_range(w)

        def fill_zeros(t, _):
            rows[0][t // 8, pl.ds((t % 8) * 16, 16)] = jnp.zeros(
                (16,), jnp.float32)
            return 0

        lax.fori_loop(0, CH * 8, fill_zeros, 0)

        def zero_acc(i, _):
            pltpu.sync_copy(rows[0], acc_sh.at[pl.ds(s * RPT + i * CH, CH)])
            return 0

        lax.fori_loop(0, RPT // CH, zero_acc, 0)
        plsc.subcore_barrier()

        def gather(j, b):
            for h in range(2):
                pltpu.async_copy(
                    hs_hbm.at[idx_v.at[j, 0, pl.ds(h * HCH, HCH)]],
                    rows[b].at[pl.ds(h * HCH, HCH)], semg[b])

        def gwait(j, b):
            for h in range(2):
                pltpu.make_async_copy(
                    hs_hbm.at[idx_v.at[j, 0, pl.ds(h * HCH, HCH)]],
                    rows[b].at[pl.ds(h * HCH, HCH)], semg[b]).wait()

        def scat(j, b):
            pltpu.async_copy(rows[b], acc_sh.at[idx_v.at[j, 1]], sems[b],
                             add=True)

        def swait(j, b):
            pltpu.make_async_copy(rows[b], acc_sh.at[idx_v.at[j, 1]],
                                  sems[b]).wait()

        for seg in range(CBASE // SEG):
            base = tbase + seg * SEG
            pltpu.sync_copy(ei_hbm.at[pl.ds(base, SEG)],
                            idx_v.at[pl.ds(0, SEG)])
            gather(0, 0)

            def body(k2, _):
                j0 = 2 * k2
                j1 = j0 + 1

                @pl.when(k2 > 0)
                def _():
                    swait(j1 - 2, 1)

                gather(j1, 1)
                gwait(j0, 0)
                scat(j0, 0)
                swait(j0, 0)

                @pl.when(k2 < SEG // 2 - 1)
                def _():
                    gather(j0 + 2, 0)

                gwait(j1, 1)
                scat(j1, 1)
                return 0

            lax.fori_loop(0, SEG // 2, body, 0)
            swait(SEG - 1, 1)

        @pl.when(has_extra)
        def _():
            pltpu.sync_copy(ei_hbm.at[pl.ds(NW * CBASE + w, 1)],
                            idx_v.at[pl.ds(SEG, 1)])
            gather(SEG, 0)
            gwait(SEG, 0)
            scat(SEG, 0)
            swait(SEG, 0)

        plsc.subcore_barrier()
        pltpu.sync_copy(acc_sh.at[pl.ds(s * RPT, RPT)],
                        out_hbm.at[c, pl.ds(s * RPT, RPT)])

    return k(hs, ei3)


_BLK = 1000
_NBLK = N // _BLK


def _mm_kernel(x_ref, w_ref, o_ref):
    o_ref[...] = jnp.dot(x_ref[...], w_ref[...],
                         preferred_element_type=jnp.float32)


def _mm_bias_kernel(x_ref, w_ref, b_ref, o_ref):
    o_ref[...] = jnp.dot(x_ref[...], w_ref[...],
                         preferred_element_type=jnp.float32) + b_ref[...]


def _matmul(x, W, b=None):
    body = _mm_kernel if b is None else _mm_bias_kernel
    args = (x, W) if b is None else (x, W, b)
    specs = [
        pl.BlockSpec((_BLK, D), lambda i: (i, 0)),
        pl.BlockSpec((D, D), lambda i: (0, 0)),
    ]
    if b is not None:
        specs.append(pl.BlockSpec((1, D), lambda i: (0, 0)))
    return pl.pallas_call(
        body,
        grid=(_NBLK,),
        in_specs=specs,
        out_specs=pl.BlockSpec((_BLK, D), lambda i: (i, 0)),
        out_shape=jax.ShapeDtypeStruct((N, D), jnp.float32),
    )(*args)


def _hs_kernel(x_ref, w_ref, degt_ref, hs_ref):
    d = degt_ref[...]
    deg = d[:, 0:1] + d[:, 1:2] + 1.0
    dinv = lax.rsqrt(deg)
    h = jnp.dot(x_ref[...], w_ref[...], preferred_element_type=jnp.float32)
    hs_ref[...] = h * dinv


def _compute_hs(x, W_conv, degT):
    return pl.pallas_call(
        _hs_kernel,
        grid=(_NBLK,),
        in_specs=[
            pl.BlockSpec((_BLK, D), lambda i: (i, 0)),
            pl.BlockSpec((D, D), lambda i: (0, 0)),
            pl.BlockSpec((_BLK, NC), lambda i: (i, 0)),
        ],
        out_specs=pl.BlockSpec((_BLK, D), lambda i: (i, 0)),
        out_shape=jax.ShapeDtypeStruct((N, D), jnp.float32),
    )(x, W_conv, degT)


def _bn_res_kernel(acc_ref, hs_ref, degt_ref, bc_ref, res_ref,
                   g_ref, b_ref, o_ref, t_sc, st_sc):
    i = pl.program_id(0)

    @pl.when(i < _NBLK)
    def _():
        d = degt_ref[...]
        deg = d[:, 0:1] + d[:, 1:2] + 1.0
        dinv = lax.rsqrt(deg)
        t = dinv * (acc_ref[0] + acc_ref[1] + hs_ref[...]) + bc_ref[...]
        t = jnp.maximum(t, 0.0)
        t_sc[pl.ds(i * _BLK, _BLK), :] = t

        @pl.when(i == 0)
        def _():
            st_sc[...] = jnp.zeros_like(st_sc)

        st_sc[0:1, :] += jnp.sum(t, axis=0, keepdims=True)
        st_sc[1:2, :] += jnp.sum(t * t, axis=0, keepdims=True)

    @pl.when(i >= _NBLK)
    def _():
        ii = i - _NBLK
        inv_n = 1.0 / N
        mean = st_sc[0:1, :] * inv_n
        var = st_sc[1:2, :] * inv_n - mean * mean
        scale = lax.rsqrt(var + EPS) * g_ref[...]
        t = t_sc[pl.ds(ii * _BLK, _BLK), :]
        o_ref[...] = (t - mean) * scale + b_ref[...] + res_ref[...]


def _compute_out(acc, hs, degT, b_conv2, res, gamma2, beta2):
    lo = lambda i: (jnp.minimum(i, _NBLK - 1),)
    hi = lambda i: (jnp.maximum(i - _NBLK, 0),)
    return pl.pallas_call(
        _bn_res_kernel,
        grid=(2 * _NBLK,),
        in_specs=[
            pl.BlockSpec((NC, _BLK, D), lambda i: (0,) + lo(i) + (0,)),
            pl.BlockSpec((_BLK, D), lambda i: lo(i) + (0,)),
            pl.BlockSpec((_BLK, NC), lambda i: lo(i) + (0,)),
            pl.BlockSpec((1, D), lambda i: (0, 0)),
            pl.BlockSpec((_BLK, D), lambda i: hi(i) + (0,)),
            pl.BlockSpec((1, D), lambda i: (0, 0)),
            pl.BlockSpec((1, D), lambda i: (0, 0)),
        ],
        out_specs=pl.BlockSpec((_BLK, D), lambda i: hi(i) + (0,)),
        out_shape=jax.ShapeDtypeStruct((N, D), jnp.float32),
        scratch_shapes=[
            pltpu.VMEM((N, D), jnp.float32),
            pltpu.VMEM((8, D), jnp.float32),
        ],
    )(acc, hs, degT, b_conv2, res, gamma2, beta2)


def kernel(x, edge_index, W_conv, b_conv, gamma, beta, W_res, b_res):
    ei3 = (edge_index.astype(jnp.int32)
           .reshape(2, NCHUNK, CH).transpose(1, 0, 2))

    deg_parts = _deg_partials(ei3)
    degT = deg_parts.T

    hs = _compute_hs(x, W_conv, degT)
    res = _matmul(x, W_res, b_res.reshape(1, D))
    acc = _scatter_partials(hs, ei3)

    return _compute_out(acc, hs, degT, b_conv.reshape(1, D), res,
                        gamma.reshape(1, D), beta.reshape(1, D))

# --- scband reference (transcript-rebuilt; emitter-appended) ---
"""Pipeline reference for scband-gcn-24713241821268 (READ-ONLY COPY).

The authoritative reference and input builder live on the scoring server;
editing this copy changes nothing except your own understanding.
"""

import jax, jax.numpy as jnp
import numpy as np

N_NODES = 10000
D_IN = 128
D_OUT = 128
EPS = 1e-5


def setup_inputs(seed: int = 0) -> dict:
    key = jax.random.key(seed)
    ks = jax.random.split(key, 8)
    x = jax.random.normal(ks[0], (N_NODES, D_IN), dtype=jnp.float32)
    edge_index = jax.random.randint(ks[1], (2, 320000), 0, N_NODES, dtype=jnp.int64)
    # GCNConv linear weight (glorot-ish) and bias
    W_conv = jax.random.normal(ks[2], (D_IN, D_OUT), dtype=jnp.float32) * (1.0 / np.sqrt(D_IN))
    b_conv = jnp.zeros((D_OUT,), dtype=jnp.float32)
    # BatchNorm affine params
    gamma = jnp.ones((D_OUT,), dtype=jnp.float32)
    beta = jnp.zeros((D_OUT,), dtype=jnp.float32)
    # residual Linear
    W_res = jax.random.normal(ks[3], (D_IN, D_OUT), dtype=jnp.float32) * (1.0 / np.sqrt(D_IN))
    b_res = jax.random.normal(ks[4], (D_OUT,), dtype=jnp.float32) * 0.01
    return {"x": x, "edge_index": edge_index, "W_conv": W_conv, "b_conv": b_conv,
            "gamma": gamma, "beta": beta, "W_res": W_res, "b_res": b_res}


def _gcn_conv(x, edge_index, W, b):
    # PyG GCNConv: add self-loops, symmetric normalization, linear transform,
    # sum aggregation at dst, then bias.
    src = edge_index[0]
    dst = edge_index[1]
    loop = jnp.arange(N_NODES, dtype=src.dtype)
    src = jnp.concatenate([src, loop], axis=0)
    dst = jnp.concatenate([dst, loop], axis=0)
    ones = jnp.ones((src.shape[0],), dtype=x.dtype)
    deg = jax.ops.segment_sum(ones, dst, num_segments=N_NODES)
    deg_inv_sqrt = jnp.where(deg > 0, deg ** -0.5, 0.0)
    norm = deg_inv_sqrt[src] * deg_inv_sqrt[dst]
    h = x @ W  # linear transform before propagation
    msg = h[src] * norm[:, None]  # gather + scale
    out = jax.ops.segment_sum(msg, dst, num_segments=N_NODES)  # scatter-add
    return out + b


def _batch_norm(h, gamma, beta):
    # BatchNorm1d in training mode: batch statistics over node dimension
    mean = jnp.mean(h, axis=0)
    var = jnp.var(h, axis=0)
    return (h - mean) / jnp.sqrt(var + EPS) * gamma + beta


def reference(x, edge_index, W_conv, b_conv, gamma, beta, W_res, b_res):
    h = _gcn_conv(x, edge_index, W_conv, b_conv)
    h = jax.nn.relu(h)
    h = _batch_norm(h, gamma, beta)
    res = x @ W_res + b_res
    return h + res

if __name__ == "__main__":
    import jax
    _d = setup_inputs()
    print(jax.jit(kernel)(*tuple(_d.values())))

</pallas_src>

<mosaic_0001>
#map = affine_map<(d0, d1) -> (0, 0)>
#map1 = affine_map<(d0, d1) -> (0, 0, 0)>
module attributes {stable_mosaic.version = 14 : i64} {
  func.func @k(%arg0: i32, %arg1: i32, %arg2: memref<10000x128xf32, #tpu.memory_space<hbm>>, %arg3: memref<2500x2x128xi32, #tpu.memory_space<hbm>>, %arg4: memref<2x10240x128xf32, #tpu.memory_space<hbm>>, %arg5: memref<27x2x128xi32, #tpu.memory_space<vmem>>, %arg6: memref<128x128xf32, #tpu.memory_space<vmem>>, %arg7: memref<128x128xf32, #tpu.memory_space<vmem>>, %arg8: memref<10240x128xf32, #tpu.memory_space<vmem_shared>>, %arg9: memref<!tpu.dma_semaphore, #tpu.memory_space<semaphore_mem>>, %arg10: memref<!tpu.dma_semaphore, #tpu.memory_space<semaphore_mem>>, %arg11: memref<!tpu.dma_semaphore, #tpu.memory_space<semaphore_mem>>, %arg12: memref<!tpu.dma_semaphore, #tpu.memory_space<semaphore_mem>>) attributes {dimension_semantics = [#tpu.dimension_semantics<core_parallel>, #tpu.dimension_semantics<subcore_parallel>], iteration_bounds = array<i64: 2, 16>, scalar_prefetch = 0 : i64, scratch_operands = 8 : i64, tpu.core_type = #tpu.core_type<sc_vector_subcore>, window_params = [{transform_indices = #map}, {transform_indices = #map1}, {transform_indices = #map1}]} {
    %mul3A = arith.constant 2 : i32
    %mul3A_0 = arith.muli %arg1, %mul3A : i32
    %add3A = arith.addi %mul3A_0, %arg0 : i32
    %mul3A_1 = arith.constant 78 : i32
    %mul3A_2 = arith.muli %add3A, %mul3A_1 : i32
    %lt3A = arith.constant 4 : i32
    %lt3A_3 = arith.cmpi slt, %add3A, %lt3A : i32
    %scan3A = arith.constant 0 : i32
    %scan3A_4 = arith.constant 0 : i32
    %scan3A_5 = arith.constant 1024 : i32
    %scan3A_6 = arith.addi %scan3A_4, %scan3A_5 : i32
    %scan3A_7 = arith.constant 1 : i32
    %scan3A_8 = scf.for %scan3A_138 = %scan3A_4 to %scan3A_6 step %scan3A_7 iter_args(%scan3A_139 = %scan3A) -> (i32)  : i32 {
      %broadcast_in_dim3A = arith.constant 0.000000e+00 : f32
      %broadcast_in_dim3A_140 = vector.broadcast %broadcast_in_dim3A : f32 to vector<16xf32>
      %jit3A = arith.constant 8 : i32
      %div3A = arith.divsi %scan3A_138, %jit3A : i32
      %sign3A = arith.constant 0 : i32
      %sign3A_141 = arith.cmpi sgt, %scan3A_138, %sign3A : i32
      %sign3A_142 = arith.extui %sign3A_141 : i1 to i32
      %sign3A_143 = arith.constant 0 : i32
      %sign3A_144 = arith.cmpi slt, %scan3A_138, %sign3A_143 : i32
      %sign3A_145 = arith.extui %sign3A_144 : i1 to i32
      %sign3A_146 = arith.subi %sign3A_142, %sign3A_145 : i32
      %sign3A_147 = arith.constant 0 : i32
      %sign3A_148 = arith.cmpi sgt, %jit3A, %sign3A_147 : i32
      %sign3A_149 = arith.extui %sign3A_148 : i1 to i32
      %sign3A_150 = arith.constant 0 : i32
      %sign3A_151 = arith.cmpi slt, %jit3A, %sign3A_150 : i32
      %sign3A_152 = arith.extui %sign3A_151 : i1 to i32
      %sign3A_153 = arith.subi %sign3A_149, %sign3A_152 : i32
      %ne3A = arith.cmpi ne, %sign3A_146, %sign3A_153 : i32
      %rem3A = arith.remsi %scan3A_138, %jit3A : i32
      %ne3A_154 = arith.constant 0 : i32
      %ne3A_155 = arith.cmpi ne, %rem3A, %ne3A_154 : i32
      %and3A = arith.andi %ne3A, %ne3A_155 : i1
      %sub3A = arith.constant 1 : i32
      %sub3A_156 = arith.subi %div3A, %sub3A : i32
      %select_n3A = arith.select %and3A, %sub3A_156, %div3A : i32
      %jit3A_157 = arith.constant 8 : i32
      %eq3A = arith.constant 0 : i32
      %eq3A_158 = arith.cmpi eq, %jit3A_157, %eq3A : i32
      %jit3A_159 = arith.constant 1 : i32
      %select_n3A_160 = arith.select %eq3A_158, %jit3A_159, %jit3A_157 : i32
      %rem3A_161 = arith.remsi %scan3A_138, %select_n3A_160 : i32
      %ne3A_162 = arith.constant 0 : i32
      %ne3A_163 = arith.cmpi ne, %rem3A_161, %ne3A_162 : i32
      %lt3A_164 = arith.constant 0 : i32
      %lt3A_165 = arith.cmpi slt, %rem3A_161, %lt3A_164 : i32
      %lt3A_166 = arith.constant 0 : i32
      %lt3A_167 = arith.cmpi slt, %select_n3A_160, %lt3A_166 : i32
      %ne3A_168 = arith.xori %lt3A_165, %lt3A_167 : i1
      %and3A_169 = arith.andi %ne3A_168, %ne3A_163 : i1
      %add3A_170 = arith.addi %rem3A_161, %select_n3A_160 : i32
      %select_n3A_171 = arith.select %and3A_169, %add3A_170, %rem3A_161 : i32
      %mul3A_172 = arith.constant 16 : i32
      %mul3A_173 = arith.muli %select_n3A_171, %mul3A_172 : i32
      %swap3A = arith.index_cast %select_n3A : i32 to index
      %swap3A_174 = arith.index_cast %mul3A_173 : i32 to index
      %swap3A_175 = tpu.vector_load %arg6[%swap3A, %swap3A_174] {strides = array<i32>} : memref<128x128xf32, #tpu.memory_space<vmem>>, vector<1x16xf32>,
      %swap3A_176 = vector.shape_cast %swap3A_175 : vector<1x16xf32> to vector<16xf32>
      %swap3A_177 = vector.shape_cast %broadcast_in_dim3A_140 : vector<16xf32> to vector<1x16xf32>
      tpu.vector_store %arg6[%swap3A, %swap3A_174], %swap3A_177 {strides = array<i32>} : memref<128x128xf32, #tpu.memory_space<vmem>>, vector<1x16xf32>,
      %scan3A_178 = arith.constant 0 : i32
      scf.yield %scan3A_178 : i32
    }
    %scan3A_9 = arith.constant 1024 : i32
    %scan3A_10 = arith.constant 0 : i32
    %scan3A_11 = arith.constant 0 : i32
    %scan3A_12 = arith.constant 5 : i32
    %scan3A_13 = arith.addi %scan3A_11, %scan3A_12 : i32
    %scan3A_14 = arith.constant 1 : i32
    %scan3A_15 = scf.for %scan3A_138 = %scan3A_11 to %scan3A_13 step %scan3A_14 iter_args(%scan3A_139 = %scan3A_10) -> (i32)  : i32 {
      %mul3A_140 = arith.constant 640 : i32
      %mul3A_141 = arith.muli %arg1, %mul3A_140 : i32
      %mul3A_142 = arith.constant 128 : i32
      %mul3A_143 = arith.muli %scan3A_138, %mul3A_142 : i32
      %add3A_144 = arith.addi %mul3A_141, %mul3A_143 : i32
      "tpu.region"() ({
        %run_scoped3A = tpu.sem_alloc : memref<!tpu.dma_semaphore, #tpu.memory_space<semaphore_mem>>
        %dma_start3A_146 = arith.constant 0 : i32
        %dma_start3A_147 = tpu.memref_slice %arg8[%add3A_144, %dma_start3A_146] : memref<10240x128xf32, #tpu.memory_space<vmem_shared>> -> memref<128x128xf32, #tpu.memory_space<vmem_shared>>
        %dma_start3A_148 = arith.constant 0 : i32
        %dma_start3A_149 = tpu.memref_slice %arg8[%add3A_144, %dma_start3A_148] : memref<10240x128xf32, #tpu.memory_space<vmem_shared>> -> memref<128x128xf32, #tpu.memory_space<vmem_shared>>
        tpu.enqueue_dma source(%arg6 : memref<128x128xf32, #tpu.memory_space<vmem>>) target(%dma_start3A_149 : memref<128x128xf32, #tpu.memory_space<vmem_shared>>) target_semaphore(%run_scoped3A : memref<!tpu.dma_semaphore, #tpu.memory_space<semaphore_mem>>)
        %dma_wait3A_150 = arith.constant 0 : i32
        %dma_wait3A_151 = tpu.memref_slice %arg8[%add3A_144, %dma_wait3A_150] : memref<10240x128xf32, #tpu.memory_space<vmem_shared>> -> memref<128x128xf32, #tpu.memory_space<vmem_shared>>
        %dma_wait3A_152 = arith.constant 0 : i32
        %dma_wait3A_153 = tpu.memref_slice %arg8[%add3A_144, %dma_wait3A_152] : memref<10240x128xf32, #tpu.memory_space<vmem_shared>> -> memref<128x128xf32, #tpu.memory_space<vmem_shared>>
        tpu.wait_dma2 semaphore(%run_scoped3A : memref<!tpu.dma_semaphore, #tpu.memory_space<semaphore_mem>>) src(%arg6 : memref<128x128xf32, #tpu.memory_space<vmem>>) dst(%dma_wait3A_153 : memref<128x128xf32, #tpu.memory_space<vmem_shared>>)
        tpu.yield
      }) : () -> ()
      %scan3A_145 = arith.constant 0 : i32
      scf.yield %scan3A_145 : i32
    }
    %scan3A_16 = arith.constant 5 : i32
    %barrier3A = arith.constant 0 : index
    tpu.barrier barrier_id(%barrier3A)
    %add3A_17 = arith.constant 0 : i32
    %add3A_18 = arith.addi %mul3A_2, %add3A_17 : i32
    "tpu.region"() ({
      %run_scoped3A = tpu.sem_alloc : memref<!tpu.dma_semaphore, #tpu.memory_space<semaphore_mem>>
      %dma_start3A_138 = arith.constant 0 : i32
      %dma_start3A_139 = arith.constant 0 : i32
      %dma_start3A_140 = arith.constant 0 : i32
      %dma_start3A_141 = tpu.memref_slice %arg5[%dma_start3A_138, %dma_start3A_139, %dma_start3A_140] : memref<27x2x128xi32, #tpu.memory_space<vmem>> -> memref<26x2x128xi32, #tpu.memory_space<vmem>>
      %dma_start3A_142 = arith.constant 0 : i32
      %dma_start3A_143 = arith.constant 0 : i32
      %dma_start3A_144 = tpu.memref_slice %arg3[%add3A_18, %dma_start3A_142, %dma_start3A_143] : memref<2500x2x128xi32, #tpu.memory_space<hbm>> -> memref<26x2x128xi32, #tpu.memory_space<hbm>>
      %dma_start3A_145 = arith.constant 0 : i32
      %dma_start3A_146 = arith.constant 0 : i32
      %dma_start3A_147 = arith.constant 0 : i32
      %dma_start3A_148 = tpu.memref_slice %arg5[%dma_start3A_145, %dma_start3A_146, %dma_start3A_147] : memref<27x2x128xi32, #tpu.memory_space<vmem>> -> memref<26x2x128xi32, #tpu.memory_space<vmem>>
      %dma_start3A_149 = arith.constant 0 : i32
      %dma_start3A_150 = arith.constant 0 : i32
      %dma_start3A_151 = tpu.memref_slice %arg3[%add3A_18, %dma_start3A_149, %dma_start3A_150] : memref<2500x2x128xi32, #tpu.memory_space<hbm>> -> memref<26x2x128xi32, #tpu.memory_space<hbm>>
      tpu.enqueue_dma source(%dma_start3A_151 : memref<26x2x128xi32, #tpu.memory_space<hbm>>) target(%dma_start3A_148 : memref<26x2x128xi32, #tpu.memory_space<vmem>>) target_semaphore(%run_scoped3A : memref<!tpu.dma_semaphore, #tpu.memory_space<semaphore_mem>>)
      %dma_wait3A_152 = arith.constant 0 : i32
      %dma_wait3A_153 = arith.constant 0 : i32
      %dma_wait3A_154 = arith.constant 0 : i32
      %dma_wait3A_155 = tpu.memref_slice %arg5[%dma_wait3A_152, %dma_wait3A_153, %dma_wait3A_154] : memref<27x2x128xi32, #tpu.memory_space<vmem>> -> memref<26x2x128xi32, #tpu.memory_space<vmem>>
      %dma_wait3A_156 = arith.constant 0 : i32
      %dma_wait3A_157 = arith.constant 0 : i32
      %dma_wait3A_158 = tpu.memref_slice %arg3[%add3A_18, %dma_wait3A_156, %dma_wait3A_157] : memref<2500x2x128xi32, #tpu.memory_space<hbm>> -> memref<26x2x128xi32, #tpu.memory_space<hbm>>
      %dma_wait3A_159 = arith.constant 0 : i32
      %dma_wait3A_160 = arith.constant 0 : i32
      %dma_wait3A_161 = arith.constant 0 : i32
      %dma_wait3A_162 = tpu.memref_slice %arg5[%dma_wait3A_159, %dma_wait3A_160, %dma_wait3A_161] : memref<27x2x128xi32, #tpu.memory_space<vmem>> -> memref<26x2x128xi32, #tpu.memory_space<vmem>>
      %dma_wait3A_163 = arith.constant 0 : i32
      %dma_wait3A_164 = arith.constant 0 : i32
      %dma_wait3A_165 = tpu.memref_slice %arg3[%add3A_18, %dma_wait3A_163, %dma_wait3A_164] : memref<2500x2x128xi32, #tpu.memory_space<hbm>> -> memref<26x2x128xi32, #tpu.memory_space<hbm>>
      tpu.wait_dma2 semaphore(%run_scoped3A : memref<!tpu.dma_semaphore, #tpu.memory_space<semaphore_mem>>) src(%dma_wait3A_165 : memref<26x2x128xi32, #tpu.memory_space<hbm>>) dst(%dma_wait3A_162 : memref<26x2x128xi32, #tpu.memory_space<vmem>>)
      tpu.yield
    }) : () -> ()
    %dma_start3A = arith.constant 0 : i32
    %dma_start3A_19 = arith.constant 0 : i32
    %dma_start3A_20 = arith.constant 0 : i32
    %dma_start3A_21 = arith.constant 0 : i32
    %dma_start3A_22 = tpu.memref_slice %arg6[%dma_start3A_20, %dma_start3A_21] : memref<128x128xf32, #tpu.memory_space<vmem>> -> memref<64x128xf32, #tpu.memory_space<vmem>>
    %dma_start3A_23 = arith.constant 0 : i32
    %dma_start3A_24 = tpu.memref_slice %arg5[%dma_start3A, %dma_start3A_19, %dma_start3A_23] : memref<27x2x128xi32, #tpu.memory_space<vmem>> -> memref<1x1x64xi32, #tpu.memory_space<vmem>>
    %dma_start3A_25 = tpu.memref_squeeze %dma_start3A_24 : memref<1x1x64xi32, #tpu.memory_space<vmem>> -> memref<64xi32, #tpu.memory_space<vmem>>
    %dma_start3A_26 = arith.constant 0 : i32
    %dma_start3A_27 = arith.constant 0 : i32
    %dma_start3A_28 = tpu.memref_slice %arg2[%dma_start3A_26, %dma_start3A_27] : memref<10000x128xf32, #tpu.memory_space<hbm>> -> memref<10000x128xf32, #tpu.memory_space<hbm>>
    tpu.enqueue_indirect_dma source(%dma_start3A_28 : memref<10000x128xf32, #tpu.memory_space<hbm>>) target(%dma_start3A_22 : memref<64x128xf32, #tpu.memory_space<vmem>>) offsets(%dma_start3A_25 : memref<64xi32, #tpu.memory_space<vmem>>) semaphore(%arg9 : memref<!tpu.dma_semaphore, #tpu.memory_space<semaphore_mem>>)
    %dma_start3A_29 = arith.constant 0 : i32
    %dma_start3A_30 = arith.constant 0 : i32
    %dma_start3A_31 = arith.constant 64 : i32
    %dma_start3A_32 = arith.constant 0 : i32
    %dma_start3A_33 = tpu.memref_slice %arg6[%dma_start3A_31, %dma_start3A_32] : memref<128x128xf32, #tpu.memory_space<vmem>> -> memref<64x128xf32, #tpu.memory_space<vmem>>
    %dma_start3A_34 = arith.constant 64 : i32
    %dma_start3A_35 = tpu.memref_slice %arg5[%dma_start3A_29, %dma_start3A_30, %dma_start3A_34] : memref<27x2x128xi32, #tpu.memory_space<vmem>> -> memref<1x1x64xi32, #tpu.memory_space<vmem>>
    %dma_start3A_36 = tpu.memref_squeeze %dma_start3A_35 : memref<1x1x64xi32, #tpu.memory_space<vmem>> -> memref<64xi32, #tpu.memory_space<vmem>>
    %dma_start3A_37 = arith.constant 0 : i32
    %dma_start3A_38 = arith.constant 0 : i32
    %dma_start3A_39 = tpu.memref_slice %arg2[%dma_start3A_37, %dma_start3A_38] : memref<10000x128xf32, #tpu.memory_space<hbm>> -> memref<10000x128xf32, #tpu.memory_space<hbm>>
    tpu.enqueue_indirect_dma source(%dma_start3A_39 : memref<10000x128xf32, #tpu.memory_space<hbm>>) target(%dma_start3A_33 : memref<64x128xf32, #tpu.memory_space<vmem>>) offsets(%dma_start3A_36 : memref<64xi32, #tpu.memory_space<vmem>>) semaphore(%arg9 : memref<!tpu.dma_semaphore, #tpu.memory_space<semaphore_mem>>)
    %scan3A_40 = arith.constant 0 : i32
    %scan3A_41 = arith.constant 0 : i32
    %scan3A_42 = arith.constant 13 : i32
    %scan3A_43 = arith.addi %scan3A_41, %scan3A_42 : i32
    %scan3A_44 = arith.constant 1 : i32
    %scan3A_45 = scf.for %scan3A_138 = %scan3A_41 to %scan3A_43 step %scan3A_44 iter_args(%scan3A_139 = %scan3A_40) -> (i32)  : i32 {
      %mul3A_140 = arith.constant 2 : i32
      %mul3A_141 = arith.muli %mul3A_140, %scan3A_138 : i32
      %add3A_142 = arith.constant 1 : i32
      %add3A_143 = arith.addi %mul3A_141, %add3A_142 : i32
      %gt3A = arith.constant 0 : i32
      %gt3A_144 = arith.cmpi sgt, %scan3A_138, %gt3A : i32
      %convert_element_type3A_145 = arith.extui %gt3A_144 : i1 to i32
      %cond3A_146 = arith.constant 0 : i32
      %cond3A_147 = arith.cmpi ne, %convert_element_type3A_145, %cond3A_146 : i32
      scf.if %cond3A_147 {
        %sub3A = arith.constant 2 : i32
        %sub3A_235 = arith.subi %add3A_143, %sub3A : i32
        %dma_wait3A_236 = arith.constant 1 : i32
        %dma_wait3A_237 = arith.constant 0 : i32
        %dma_wait3A_238 = tpu.memref_slice %arg5[%sub3A_235, %dma_wait3A_236, %dma_wait3A_237] : memref<27x2x128xi32, #tpu.memory_space<vmem>> -> memref<1x1x128xi32, #tpu.memory_space<vmem>>
        %dma_wait3A_239 = tpu.memref_squeeze %dma_wait3A_238 : memref<1x1x128xi32, #tpu.memory_space<vmem>> -> memref<128xi32, #tpu.memory_space<vmem>>
        %dma_wait3A_240 = arith.constant 0 : i32
        %dma_wait3A_241 = arith.constant 0 : i32
        %dma_wait3A_242 = tpu.memref_slice %arg8[%dma_wait3A_240, %dma_wait3A_241] : memref<10240x128xf32, #tpu.memory_space<vmem_shared>> -> memref<10240x128xf32, #tpu.memory_space<vmem_shared>>
        tpu.wait_indirect_dma semaphore(%arg12 : memref<!tpu.dma_semaphore, #tpu.memory_space<semaphore_mem>>) src(%arg7 : memref<128x128xf32, #tpu.memory_space<vmem>>) dst(%dma_wait3A_242 : memref<10240x128xf32, #tpu.memory_space<vmem_shared>>)
      } else {
      }
      %dma_start3A_148 = arith.constant 0 : i32
      %dma_start3A_149 = arith.constant 0 : i32
      %dma_start3A_150 = arith.constant 0 : i32
      %dma_start3A_151 = tpu.memref_slice %arg7[%dma_start3A_149, %dma_start3A_150] : memref<128x128xf32, #tpu.memory_space<vmem>> -> memref<64x128xf32, #tpu.memory_space<vmem>>
      %dma_start3A_152 = arith.constant 0 : i32
      %dma_start3A_153 = tpu.memref_slice %arg5[%add3A_143, %dma_start3A_148, %dma_start3A_152] : memref<27x2x128xi32, #tpu.memory_space<vmem>> -> memref<1x1x64xi32, #tpu.memory_space<vmem>>
      %dma_start3A_154 = tpu.memref_squeeze %dma_start3A_153 : memref<1x1x64xi32, #tpu.memory_space<vmem>> -> memref<64xi32, #tpu.memory_space<vmem>>
      %dma_start3A_155 = arith.constant 0 : i32
      %dma_start3A_156 = arith.constant 0 : i32
      %dma_start3A_157 = tpu.memref_slice %arg2[%dma_start3A_155, %dma_start3A_156] : memref<10000x128xf32, #tpu.memory_space<hbm>> -> memref<10000x128xf32, #tpu.memory_space<hbm>>
      tpu.enqueue_indirect_dma source(%dma_start3A_157 : memref<10000x128xf32, #tpu.memory_space<hbm>>) target(%dma_start3A_151 : memref<64x128xf32, #tpu.memory_space<vmem>>) offsets(%dma_start3A_154 : memref<64xi32, #tpu.memory_space<vmem>>) semaphore(%arg10 : memref<!tpu.dma_semaphore, #tpu.memory_space<semaphore_mem>>)
      %dma_start3A_158 = arith.constant 0 : i32
      %dma_start3A_159 = arith.constant 64 : i32
      %dma_start3A_160 = arith.constant 0 : i32
      %dma_start3A_161 = tpu.memref_slice %arg7[%dma_start3A_159, %dma_start3A_160] : memref<128x128xf32, #tpu.memory_space<vmem>> -> memref<64x128xf32, #tpu.memory_space<vmem>>
      %dma_start3A_162 = arith.constant 64 : i32
      %dma_start3A_163 = tpu.memref_slice %arg5[%add3A_143, %dma_start3A_158, %dma_start3A_162] : memref<27x2x128xi32, #tpu.memory_space<vmem>> -> memref<1x1x64xi32, #tpu.memory_space<vmem>>
      %dma_start3A_164 = tpu.memref_squeeze %dma_start3A_163 : memref<1x1x64xi32, #tpu.memory_space<vmem>> -> memref<64xi32, #tpu.memory_space<vmem>>
      %dma_start3A_165 = arith.constant 0 : i32
      %dma_start3A_166 = arith.constant 0 : i32
      %dma_start3A_167 = tpu.memref_slice %arg2[%dma_start3A_165, %dma_start3A_166] : memref<10000x128xf32, #tpu.memory_space<hbm>> -> memref<10000x128xf32, #tpu.memory_space<hbm>>
      tpu.enqueue_indirect_dma source(%dma_start3A_167 : memref<10000x128xf32, #tpu.memory_space<hbm>>) target(%dma_start3A_161 : memref<64x128xf32, #tpu.memory_space<vmem>>) offsets(%dma_start3A_164 : memref<64xi32, #tpu.memory_space<vmem>>) semaphore(%arg10 : memref<!tpu.dma_semaphore, #tpu.memory_space<semaphore_mem>>)
      %dma_wait3A_168 = arith.constant 0 : i32
      %dma_wait3A_169 = arith.constant 0 : i32
      %dma_wait3A_170 = arith.constant 0 : i32
      %dma_wait3A_171 = tpu.memref_slice %arg6[%dma_wait3A_169, %dma_wait3A_170] : memref<128x128xf32, #tpu.memory_space<vmem>> -> memref<64x128xf32, #tpu.memory_space<vmem>>
      %dma_wait3A_172 = arith.constant 0 : i32
      %dma_wait3A_173 = tpu.memref_slice %arg5[%mul3A_141, %dma_wait3A_168, %dma_wait3A_172] : memref<27x2x128xi32, #tpu.memory_space<vmem>> -> memref<1x1x64xi32, #tpu.memory_space<vmem>>
      %dma_wait3A_174 = tpu.memref_squeeze %dma_wait3A_173 : memref<1x1x64xi32, #tpu.memory_space<vmem>> -> memref<64xi32, #tpu.memory_space<vmem>>
      %dma_wait3A_175 = arith.constant 0 : i32
      %dma_wait3A_176 = arith.constant 0 : i32
      %dma_wait3A_177 = tpu.memref_slice %arg2[%dma_wait3A_175, %dma_wait3A_176] : memref<10000x128xf32, #tpu.memory_space<hbm>> -> memref<10000x128xf32, #tpu.memory_space<hbm>>
      tpu.wait_indirect_dma semaphore(%arg9 : memref<!tpu.dma_semaphore, #tpu.memory_space<semaphore_mem>>) src(%dma_wait3A_177 : memref<10000x128xf32, #tpu.memory_space<hbm>>) dst(%dma_wait3A_171 : memref<64x128xf32, #tpu.memory_space<vmem>>)
      %dma_wait3A_178 = arith.constant 0 : i32
      %dma_wait3A_179 = arith.constant 64 : i32
      %dma_wait3A_180 = arith.constant 0 : i32
      %dma_wait3A_181 = tpu.memref_slice %arg6[%dma_wait3A_179, %dma_wait3A_180] : memref<128x128xf32, #tpu.memory_space<vmem>> -> memref<64x128xf32, #tpu.memory_space<vmem>>
      %dma_wait3A_182 = arith.constant 64 : i32
      %dma_wait3A_183 = tpu.memref_slice %arg5[%mul3A_141, %dma_wait3A_178, %dma_wait3A_182] : memref<27x2x128xi32, #tpu.memory_space<vmem>> -> memref<1x1x64xi32, #tpu.memory_space<vmem>>
      %dma_wait3A_184 = tpu.memref_squeeze %dma_wait3A_183 : memref<1x1x64xi32, #tpu.memory_space<vmem>> -> memref<64xi32, #tpu.memory_space<vmem>>
      %dma_wait3A_185 = arith.constant 0 : i32
      %dma_wait3A_186 = arith.constant 0 : i32
      %dma_wait3A_187 = tpu.memref_slice %arg2[%dma_wait3A_185, %dma_wait3A_186] : memref<10000x128xf32, #tpu.memory_space<hbm>> -> memref<10000x128xf32, #tpu.memory_space<hbm>>
      tpu.wait_indirect_dma semaphore(%arg9 : memref<!tpu.dma_semaphore, #tpu.memory_space<semaphore_mem>>) src(%dma_wait3A_187 : memref<10000x128xf32, #tpu.memory_space<hbm>>) dst(%dma_wait3A_181 : memref<64x128xf32, #tpu.memory_space<vmem>>)
      %dma_start3A_188 = arith.constant 1 : i32
      %dma_start3A_189 = arith.constant 0 : i32
      %dma_start3A_190 = tpu.memref_slice %arg5[%mul3A_141, %dma_start3A_188, %dma_start3A_189] : memref<27x2x128xi32, #tpu.memory_space<vmem>> -> memref<1x1x128xi32, #tpu.memory_space<vmem>>
      %dma_start3A_191 = tpu.memref_squeeze %dma_start3A_190 : memref<1x1x128xi32, #tpu.memory_space<vmem>> -> memref<128xi32, #tpu.memory_space<vmem>>
      %dma_start3A_192 = arith.constant 0 : i32
      %dma_start3A_193 = arith.constant 0 : i32
      %dma_start3A_194 = tpu.memref_slice %arg8[%dma_start3A_192, %dma_start3A_193] : memref<10240x128xf32, #tpu.memory_space<vmem_shared>> -> memref<10240x128xf32, #tpu.memory_space<vmem_shared>>
      tpu.enqueue_indirect_dma source(%arg6 : memref<128x128xf32, #tpu.memory_space<vmem>>) target(%dma_start3A_194 : memref<10240x128xf32, #tpu.memory_space<vmem_shared>>) offsets(%dma_start3A_191 : memref<128xi32, #tpu.memory_space<vmem>>) semaphore(%arg11 : memref<!tpu.dma_semaphore, #tpu.memory_space<semaphore_mem>>) {add = true}
      %dma_wait3A_195 = arith.constant 1 : i32
      %dma_wait3A_196 = arith.constant 0 : i32
      %dma_wait3A_197 = tpu.memref_slice %arg5[%mul3A_141, %dma_wait3A_195, %dma_wait3A_196] : memref<27x2x128xi32, #tpu.memory_space<vmem>> -> memref<1x1x128xi32, #tpu.memory_space<vmem>>
      %dma_wait3A_198 = tpu.memref_squeeze %dma_wait3A_197 : memref<1x1x128xi32, #tpu.memory_space<vmem>> -> memref<128xi32, #tpu.memory_space<vmem>>
      %dma_wait3A_199 = arith.constant 0 : i32
      %dma_wait3A_200 = arith.constant 0 : i32
      %dma_wait3A_201 = tpu.memref_slice %arg8[%dma_wait3A_199, %dma_wait3A_200] : memref<10240x128xf32, #tpu.memory_space<vmem_shared>> -> memref<10240x128xf32, #tpu.memory_space<vmem_shared>>
      tpu.wait_indirect_dma semaphore(%arg11 : memref<!tpu.dma_semaphore, #tpu.memory_space<semaphore_mem>>) src(%arg6 : memref<128x128xf32, #tpu.memory_space<vmem>>) dst(%dma_wait3A_201 : memref<10240x128xf32, #tpu.memory_space<vmem_shared>>)
      %lt3A_202 = arith.constant 12 : i32
      %lt3A_203 = arith.cmpi slt, %scan3A_138, %lt3A_202 : i32
      %convert_element_type3A_204 = arith.extui %lt3A_203 : i1 to i32
      %cond3A_205 = arith.constant 0 : i32
      %cond3A_206 = arith.cmpi ne, %convert_element_type3A_204, %cond3A_205 : i32
      scf.if %cond3A_206 {
        %add3A_235 = arith.constant 2 : i32
        %add3A_236 = arith.addi %mul3A_141, %add3A_235 : i32
        %dma_start3A_237 = arith.constant 0 : i32
        %dma_start3A_238 = arith.constant 0 : i32
        %dma_start3A_239 = arith.constant 0 : i32
        %dma_start3A_240 = tpu.memref_slice %arg6[%dma_start3A_238, %dma_start3A_239] : memref<128x128xf32, #tpu.memory_space<vmem>> -> memref<64x128xf32, #tpu.memory_space<vmem>>
        %dma_start3A_241 = arith.constant 0 : i32
        %dma_start3A_242 = tpu.memref_slice %arg5[%add3A_236, %dma_start3A_237, %dma_start3A_241] : memref<27x2x128xi32, #tpu.memory_space<vmem>> -> memref<1x1x64xi32, #tpu.memory_space<vmem>>
        %dma_start3A_243 = tpu.memref_squeeze %dma_start3A_242 : memref<1x1x64xi32, #tpu.memory_space<vmem>> -> memref<64xi32, #tpu.memory_space<vmem>>
        %dma_start3A_244 = arith.constant 0 : i32
        %dma_start3A_245 = arith.constant 0 : i32
        %dma_start3A_246 = tpu.memref_slice %arg2[%dma_start3A_244, %dma_start3A_245] : memref<10000x128xf32, #tpu.memory_space<hbm>> -> memref<10000x128xf32, #tpu.memory_space<hbm>>
        tpu.enqueue_indirect_dma source(%dma_start3A_246 : memref<10000x128xf32, #tpu.memory_space<hbm>>) target(%dma_start3A_240 : memref<64x128xf32, #tpu.memory_space<vmem>>) offsets(%dma_start3A_243 : memref<64xi32, #tpu.memory_space<vmem>>) semaphore(%arg9 : memref<!tpu.dma_semaphore, #tpu.memory_space<semaphore_mem>>)
        %dma_start3A_247 = arith.constant 0 : i32
        %dma_start3A_248 = arith.constant 64 : i32
        %dma_start3A_249 = arith.constant 0 : i32
        %dma_start3A_250 = tpu.memref_slice %arg6[%dma_start3A_248, %dma_start3A_249] : memref<128x128xf32, #tpu.memory_space<vmem>> -> memref<64x128xf32, #tpu.memory_space<vmem>>
        %dma_start3A_251 = arith.constant 64 : i32
        %dma_start3A_252 = tpu.memref_slice %arg5[%add3A_236, %dma_start3A_247, %dma_start3A_251] : memref<27x2x128xi32, #tpu.memory_space<vmem>> -> memref<1x1x64xi32, #tpu.memory_space<vmem>>
        %dma_start3A_253 = tpu.memref_squeeze %dma_start3A_252 : memref<1x1x64xi32, #tpu.memory_space<vmem>> -> memref<64xi32, #tpu.memory_space<vmem>>
        %dma_start3A_254 = arith.constant 0 : i32
        %dma_start3A_255 = arith.constant 0 : i32
        %dma_start3A_256 = tpu.memref_slice %arg2[%dma_start3A_254, %dma_start3A_255] : memref<10000x128xf32, #tpu.memory_space<hbm>> -> memref<10000x128xf32, #tpu.memory_space<hbm>>
        tpu.enqueue_indirect_dma source(%dma_start3A_256 : memref<10000x128xf32, #tpu.memory_space<hbm>>) target(%dma_start3A_250 : memref<64x128xf32, #tpu.memory_space<vmem>>) offsets(%dma_start3A_253 : memref<64xi32, #tpu.memory_space<vmem>>) semaphore(%arg9 : memref<!tpu.dma_semaphore, #tpu.memory_space<semaphore_mem>>)
      } else {
      }
      %dma_wait3A_207 = arith.constant 0 : i32
      %dma_wait3A_208 = arith.constant 0 : i32
      %dma_wait3A_209 = arith.constant 0 : i32
      %dma_wait3A_210 = tpu.memref_slice %arg7[%dma_wait3A_208, %dma_wait3A_209] : memref<128x128xf32, #tpu.memory_space<vmem>> -> memref<64x128xf32, #tpu.memory_space<vmem>>
      %dma_wait3A_211 = arith.constant 0 : i32
      %dma_wait3A_212 = tpu.memref_slice %arg5[%add3A_143, %dma_wait3A_207, %dma_wait3A_211] : memref<27x2x128xi32, #tpu.memory_space<vmem>> -> memref<1x1x64xi32, #tpu.memory_space<vmem>>
      %dma_wait3A_213 = tpu.memref_squeeze %dma_wait3A_212 : memref<1x1x64xi32, #tpu.memory_space<vmem>> -> memref<64xi32, #tpu.memory_space<vmem>>
      %dma_wait3A_214 = arith.constant 0 : i32
      %dma_wait3A_215 = arith.constant 0 : i32
      %dma_wait3A_216 = tpu.memref_slice %arg2[%dma_wait3A_214, %dma_wait3A_215] : memref<10000x128xf32, #tpu.memory_space<hbm>> -> memref<10000x128xf32, #tpu.memory_space<hbm>>
      tpu.wait_indirect_dma semaphore(%arg10 : memref<!tpu.dma_semaphore, #tpu.memory_space<semaphore_mem>>) src(%dma_wait3A_216 : memref<10000x128xf32, #tpu.memory_space<hbm>>) dst(%dma_wait3A_210 : memref<64x128xf32, #tpu.memory_space<vmem>>)
      %dma_wait3A_217 = arith.constant 0 : i32
      %dma_wait3A_218 = arith.constant 64 : i32
      %dma_wait3A_219 = arith.constant 0 : i32
      %dma_wait3A_220 = tpu.memref_slice %arg7[%dma_wait3A_218, %dma_wait3A_219] : memref<128x128xf32, #tpu.memory_space<vmem>> -> memref<64x128xf32, #tpu.memory_space<vmem>>
      %dma_wait3A_221 = arith.constant 64 : i32
      %dma_wait3A_222 = tpu.memref_slice %arg5[%add3A_143, %dma_wait3A_217, %dma_wait3A_221] : memref<27x2x128xi32, #tpu.memory_space<vmem>> -> memref<1x1x64xi32, #tpu.memory_space<vmem>>
      %dma_wait3A_223 = tpu.memref_squeeze %dma_wait3A_222 : memref<1x1x64xi32, #tpu.memory_space<vmem>> -> memref<64xi32, #tpu.memory_space<vmem>>
      %dma_wait3A_224 = arith.constant 0 : i32
      %dma_wait3A_225 = arith.constant 0 : i32
      %dma_wait3A_226 = tpu.memref_slice %arg2[%dma_wait3A_224, %dma_wait3A_225] : memref<10000x128xf32, #tpu.memory_space<hbm>> -> memref<10000x128xf32, #tpu.memory_space<hbm>>
      tpu.wait_indirect_dma semaphore(%arg10 : memref<!tpu.dma_semaphore, #tpu.memory_space<semaphore_mem>>) src(%dma_wait3A_226 : memref<10000x128xf32, #tpu.memory_space<hbm>>) dst(%dma_wait3A_220 : memref<64x128xf32, #tpu.memory_space<vmem>>)
      %dma_start3A_227 = arith.constant 1 : i32
      %dma_start3A_228 = arith.constant 0 : i32
      %dma_start3A_229 = tpu.memref_slice %arg5[%add3A_143, %dma_start3A_227, %dma_start3A_228] : memref<27x2x128xi32, #tpu.memory_space<vmem>> -> memref<1x1x128xi32, #tpu.memory_space<vmem>>
      %dma_start3A_230 = tpu.memref_squeeze %dma_start3A_229 : memref<1x1x128xi32, #tpu.memory_space<vmem>> -> memref<128xi32, #tpu.memory_space<vmem>>
      %dma_start3A_231 = arith.constant 0 : i32
      %dma_start3A_232 = arith.constant 0 : i32
      %dma_start3A_233 = tpu.memref_slice %arg8[%dma_start3A_231, %dma_start3A_232] : memref<10240x128xf32, #tpu.memory_space<vmem_shared>> -> memref<10240x128xf32, #tpu.memory_space<vmem_shared>>
      tpu.enqueue_indirect_dma source(%arg7 : memref<128x128xf32, #tpu.memory_space<vmem>>) target(%dma_start3A_233 : memref<10240x128xf32, #tpu.memory_space<vmem_shared>>) offsets(%dma_start3A_230 : memref<128xi32, #tpu.memory_space<vmem>>) semaphore(%arg12 : memref<!tpu.dma_semaphore, #tpu.memory_space<semaphore_mem>>) {add = true}
      %scan3A_234 = arith.constant 0 : i32
      scf.yield %scan3A_234 : i32
    }
    %scan3A_46 = arith.constant 13 : i32
    %dma_wait3A = arith.constant 25 : i32
    %dma_wait3A_47 = arith.constant 1 : i32
    %dma_wait3A_48 = arith.constant 0 : i32
    %dma_wait3A_49 = tpu.memref_slice %arg5[%dma_wait3A, %dma_wait3A_47, %dma_wait3A_48] : memref<27x2x128xi32, #tpu.memory_space<vmem>> -> memref<1x1x128xi32, #tpu.memory_space<vmem>>
    %dma_wait3A_50 = tpu.memref_squeeze %dma_wait3A_49 : memref<1x1x128xi32, #tpu.memory_space<vmem>> -> memref<128xi32, #tpu.memory_space<vmem>>
    %dma_wait3A_51 = arith.constant 0 : i32
    %dma_wait3A_52 = arith.constant 0 : i32
    %dma_wait3A_53 = tpu.memref_slice %arg8[%dma_wait3A_51, %dma_wait3A_52] : memref<10240x128xf32, #tpu.memory_space<vmem_shared>> -> memref<10240x128xf32, #tpu.memory_space<vmem_shared>>
    tpu.wait_indirect_dma semaphore(%arg12 : memref<!tpu.dma_semaphore, #tpu.memory_space<semaphore_mem>>) src(%arg7 : memref<128x128xf32, #tpu.memory_space<vmem>>) dst(%dma_wait3A_53 : memref<10240x128xf32, #tpu.memory_space<vmem_shared>>)
    %add3A_54 = arith.constant 26 : i32
    %add3A_55 = arith.addi %mul3A_2, %add3A_54 : i32
    "tpu.region"() ({
      %run_scoped3A = tpu.sem_alloc : memref<!tpu.dma_semaphore, #tpu.memory_space<semaphore_mem>>
      %dma_start3A_138 = arith.constant 0 : i32
      %dma_start3A_139 = arith.constant 0 : i32
      %dma_start3A_140 = arith.constant 0 : i32
      %dma_start3A_141 = tpu.memref_slice %arg5[%dma_start3A_138, %dma_start3A_139, %dma_start3A_140] : memref<27x2x128xi32, #tpu.memory_space<vmem>> -> memref<26x2x128xi32, #tpu.memory_space<vmem>>
      %dma_start3A_142 = arith.constant 0 : i32
      %dma_start3A_143 = arith.constant 0 : i32
      %dma_start3A_144 = tpu.memref_slice %arg3[%add3A_55, %dma_start3A_142, %dma_start3A_143] : memref<2500x2x128xi32, #tpu.memory_space<hbm>> -> memref<26x2x128xi32, #tpu.memory_space<hbm>>
      %dma_start3A_145 = arith.constant 0 : i32
      %dma_start3A_146 = arith.constant 0 : i32
      %dma_start3A_147 = arith.constant 0 : i32
      %dma_start3A_148 = tpu.memref_slice %arg5[%dma_start3A_145, %dma_start3A_146, %dma_start3A_147] : memref<27x2x128xi32, #tpu.memory_space<vmem>> -> memref<26x2x128xi32, #tpu.memory_space<vmem>>
      %dma_start3A_149 = arith.constant 0 : i32
      %dma_start3A_150 = arith.constant 0 : i32
      %dma_start3A_151 = tpu.memref_slice %arg3[%add3A_55, %dma_start3A_149, %dma_start3A_150] : memref<2500x2x128xi32, #tpu.memory_space<hbm>> -> memref<26x2x128xi32, #tpu.memory_space<hbm>>
      tpu.enqueue_dma source(%dma_start3A_151 : memref<26x2x128xi32, #tpu.memory_space<hbm>>) target(%dma_start3A_148 : memref<26x2x128xi32, #tpu.memory_space<vmem>>) target_semaphore(%run_scoped3A : memref<!tpu.dma_semaphore, #tpu.memory_space<semaphore_mem>>)
      %dma_wait3A_152 = arith.constant 0 : i32
      %dma_wait3A_153 = arith.constant 0 : i32
      %dma_wait3A_154 = arith.constant 0 : i32
      %dma_wait3A_155 = tpu.memref_slice %arg5[%dma_wait3A_152, %dma_wait3A_153, %dma_wait3A_154] : memref<27x2x128xi32, #tpu.memory_space<vmem>> -> memref<26x2x128xi32, #tpu.memory_space<vmem>>
      %dma_wait3A_156 = arith.constant 0 : i32
      %dma_wait3A_157 = arith.constant 0 : i32
      %dma_wait3A_158 = tpu.memref_slice %arg3[%add3A_55, %dma_wait3A_156, %dma_wait3A_157] : memref<2500x2x128xi32, #tpu.memory_space<hbm>> -> memref<26x2x128xi32, #tpu.memory_space<hbm>>
      %dma_wait3A_159 = arith.constant 0 : i32
      %dma_wait3A_160 = arith.constant 0 : i32
      %dma_wait3A_161 = arith.constant 0 : i32
      %dma_wait3A_162 = tpu.memref_slice %arg5[%dma_wait3A_159, %dma_wait3A_160, %dma_wait3A_161] : memref<27x2x128xi32, #tpu.memory_space<vmem>> -> memref<26x2x128xi32, #tpu.memory_space<vmem>>
      %dma_wait3A_163 = arith.constant 0 : i32
      %dma_wait3A_164 = arith.constant 0 : i32
      %dma_wait3A_165 = tpu.memref_slice %arg3[%add3A_55, %dma_wait3A_163, %dma_wait3A_164] : memref<2500x2x128xi32, #tpu.memory_space<hbm>> -> memref<26x2x128xi32, #tpu.memory_space<hbm>>
      tpu.wait_dma2 semaphore(%run_scoped3A : memref<!tpu.dma_semaphore, #tpu.memory_space<semaphore_mem>>) src(%dma_wait3A_165 : memref<26x2x128xi32, #tpu.memory_space<hbm>>) dst(%dma_wait3A_162 : memref<26x2x128xi32, #tpu.memory_space<vmem>>)
      tpu.yield
    }) : () -> ()
    %dma_start3A_56 = arith.constant 0 : i32
    %dma_start3A_57 = arith.constant 0 : i32
    %dma_start3A_58 = arith.constant 0 : i32
    %dma_start3A_59 = arith.constant 0 : i32
    %dma_start3A_60 = tpu.memref_slice %arg6[%dma_start3A_58, %dma_start3A_59] : memref<128x128xf32, #tpu.memory_space<vmem>> -> memref<64x128xf32, #tpu.memory_space<vmem>>
    %dma_start3A_61 = arith.constant 0 : i32
    %dma_start3A_62 = tpu.memref_slice %arg5[%dma_start3A_56, %dma_start3A_57, %dma_start3A_61] : memref<27x2x128xi32, #tpu.memory_space<vmem>> -> memref<1x1x64xi32, #tpu.memory_space<vmem>>
    %dma_start3A_63 = tpu.memref_squeeze %dma_start3A_62 : memref<1x1x64xi32, #tpu.memory_space<vmem>> -> memref<64xi32, #tpu.memory_space<vmem>>
    %dma_start3A_64 = arith.constant 0 : i32
    %dma_start3A_65 = arith.constant 0 : i32
    %dma_start3A_66 = tpu.memref_slice %arg2[%dma_start3A_64, %dma_start3A_65] : memref<10000x128xf32, #tpu.memory_space<hbm>> -> memref<10000x128xf32, #tpu.memory_space<hbm>>
    tpu.enqueue_indirect_dma source(%dma_start3A_66 : memref<10000x128xf32, #tpu.memory_space<hbm>>) target(%dma_start3A_60 : memref<64x128xf32, #tpu.memory_space<vmem>>) offsets(%dma_start3A_63 : memref<64xi32, #tpu.memory_space<vmem>>) semaphore(%arg9 : memref<!tpu.dma_semaphore, #tpu.memory_space<semaphore_mem>>)
    %dma_start3A_67 = arith.constant 0 : i32
    %dma_start3A_68 = arith.constant 0 : i32
    %dma_start3A_69 = arith.constant 64 : i32
    %dma_start3A_70 = arith.constant 0 : i32
    %dma_start3A_71 = tpu.memref_slice %arg6[%dma_start3A_69, %dma_start3A_70] : memref<128x128xf32, #tpu.memory_space<vmem>> -> memref<64x128xf32, #tpu.memory_space<vmem>>
    %dma_start3A_72 = arith.constant 64 : i32
    %dma_start3A_73 = tpu.memref_slice %arg5[%dma_start3A_67, %dma_start3A_68, %dma_start3A_72] : memref<27x2x128xi32, #tpu.memory_space<vmem>> -> memref<1x1x64xi32, #tpu.memory_space<vmem>>
    %dma_start3A_74 = tpu.memref_squeeze %dma_start3A_73 : memref<1x1x64xi32, #tpu.memory_space<vmem>> -> memref<64xi32, #tpu.memory_space<vmem>>
    %dma_start3A_75 = arith.constant 0 : i32
    %dma_start3A_76 = arith.constant 0 : i32
    %dma_start3A_77 = tpu.memref_slice %arg2[%dma_start3A_75, %dma_start3A_76] : memref<10000x128xf32, #tpu.memory_space<hbm>> -> memref<10000x128xf32, #tpu.memory_space<hbm>>
    tpu.enqueue_indirect_dma source(%dma_start3A_77 : memref<10000x128xf32, #tpu.memory_space<hbm>>) target(%dma_start3A_71 : memref<64x128xf32, #tpu.memory_space<vmem>>) offsets(%dma_start3A_74 : memref<64xi32, #tpu.memory_space<vmem>>) semaphore(%arg9 : memref<!tpu.dma_semaphore, #tpu.memory_space<semaphore_mem>>)
    %scan3A_78 = arith.constant 0 : i32
    %scan3A_79 = arith.constant 0 : i32
    %scan3A_80 = arith.constant 13 : i32
    %scan3A_81 = arith.addi %scan3A_79, %scan3A_80 : i32
    %scan3A_82 = arith.constant 1 : i32
    %scan3A_83 = scf.for %scan3A_138 = %scan3A_79 to %scan3A_81 step %scan3A_82 iter_args(%scan3A_139 = %scan3A_78) -> (i32)  : i32 {
      %mul3A_140 = arith.constant 2 : i32
      %mul3A_141 = arith.muli %mul3A_140, %scan3A_138 : i32
      %add3A_142 = arith.constant 1 : i32
      %add3A_143 = arith.addi %mul3A_141, %add3A_142 : i32
      %gt3A = arith.constant 0 : i32
      %gt3A_144 = arith.cmpi sgt, %scan3A_138, %gt3A : i32
      %convert_element_type3A_145 = arith.extui %gt3A_144 : i1 to i32
      %cond3A_146 = arith.constant 0 : i32
      %cond3A_147 = arith.cmpi ne, %convert_element_type3A_145, %cond3A_146 : i32
      scf.if %cond3A_147 {
        %sub3A = arith.constant 2 : i32
        %sub3A_235 = arith.subi %add3A_143, %sub3A : i32
        %dma_wait3A_236 = arith.constant 1 : i32
        %dma_wait3A_237 = arith.constant 0 : i32
        %dma_wait3A_238 = tpu.memref_slice %arg5[%sub3A_235, %dma_wait3A_236, %dma_wait3A_237] : memref<27x2x128xi32, #tpu.memory_space<vmem>> -> memref<1x1x128xi32, #tpu.memory_space<vmem>>
        %dma_wait3A_239 = tpu.memref_squeeze %dma_wait3A_238 : memref<1x1x128xi32, #tpu.memory_space<vmem>> -> memref<128xi32, #tpu.memory_space<vmem>>
        %dma_wait3A_240 = arith.constant 0 : i32
        %dma_wait3A_241 = arith.constant 0 : i32
        %dma_wait3A_242 = tpu.memref_slice %arg8[%dma_wait3A_240, %dma_wait3A_241] : memref<10240x128xf32, #tpu.memory_space<vmem_shared>> -> memref<10240x128xf32, #tpu.memory_space<vmem_shared>>
        tpu.wait_indirect_dma semaphore(%arg12 : memref<!tpu.dma_semaphore, #tpu.memory_space<semaphore_mem>>) src(%arg7 : memref<128x128xf32, #tpu.memory_space<vmem>>) dst(%dma_wait3A_242 : memref<10240x128xf32, #tpu.memory_space<vmem_shared>>)
      } else {
      }
      %dma_start3A_148 = arith.constant 0 : i32
      %dma_start3A_149 = arith.constant 0 : i32
      %dma_start3A_150 = arith.constant 0 : i32
      %dma_start3A_151 = tpu.memref_slice %arg7[%dma_start3A_149, %dma_start3A_150] : memref<128x128xf32, #tpu.memory_space<vmem>> -> memref<64x128xf32, #tpu.memory_space<vmem>>
      %dma_start3A_152 = arith.constant 0 : i32
      %dma_start3A_153 = tpu.memref_slice %arg5[%add3A_143, %dma_start3A_148, %dma_start3A_152] : memref<27x2x128xi32, #tpu.memory_space<vmem>> -> memref<1x1x64xi32, #tpu.memory_space<vmem>>
      %dma_start3A_154 = tpu.memref_squeeze %dma_start3A_153 : memref<1x1x64xi32, #tpu.memory_space<vmem>> -> memref<64xi32, #tpu.memory_space<vmem>>
      %dma_start3A_155 = arith.constant 0 : i32
      %dma_start3A_156 = arith.constant 0 : i32
      %dma_start3A_157 = tpu.memref_slice %arg2[%dma_start3A_155, %dma_start3A_156] : memref<10000x128xf32, #tpu.memory_space<hbm>> -> memref<10000x128xf32, #tpu.memory_space<hbm>>
      tpu.enqueue_indirect_dma source(%dma_start3A_157 : memref<10000x128xf32, #tpu.memory_space<hbm>>) target(%dma_start3A_151 : memref<64x128xf32, #tpu.memory_space<vmem>>) offsets(%dma_start3A_154 : memref<64xi32, #tpu.memory_space<vmem>>) semaphore(%arg10 : memref<!tpu.dma_semaphore, #tpu.memory_space<semaphore_mem>>)
      %dma_start3A_158 = arith.constant 0 : i32
      %dma_start3A_159 = arith.constant 64 : i32
      %dma_start3A_160 = arith.constant 0 : i32
      %dma_start3A_161 = tpu.memref_slice %arg7[%dma_start3A_159, %dma_start3A_160] : memref<128x128xf32, #tpu.memory_space<vmem>> -> memref<64x128xf32, #tpu.memory_space<vmem>>
      %dma_start3A_162 = arith.constant 64 : i32
      %dma_start3A_163 = tpu.memref_slice %arg5[%add3A_143, %dma_start3A_158, %dma_start3A_162] : memref<27x2x128xi32, #tpu.memory_space<vmem>> -> memref<1x1x64xi32, #tpu.memory_space<vmem>>
      %dma_start3A_164 = tpu.memref_squeeze %dma_start3A_163 : memref<1x1x64xi32, #tpu.memory_space<vmem>> -> memref<64xi32, #tpu.memory_space<vmem>>
      %dma_start3A_165 = arith.constant 0 : i32
      %dma_start3A_166 = arith.constant 0 : i32
      %dma_start3A_167 = tpu.memref_slice %arg2[%dma_start3A_165, %dma_start3A_166] : memref<10000x128xf32, #tpu.memory_space<hbm>> -> memref<10000x128xf32, #tpu.memory_space<hbm>>
      tpu.enqueue_indirect_dma source(%dma_start3A_167 : memref<10000x128xf32, #tpu.memory_space<hbm>>) target(%dma_start3A_161 : memref<64x128xf32, #tpu.memory_space<vmem>>) offsets(%dma_start3A_164 : memref<64xi32, #tpu.memory_space<vmem>>) semaphore(%arg10 : memref<!tpu.dma_semaphore, #tpu.memory_space<semaphore_mem>>)
      %dma_wait3A_168 = arith.constant 0 : i32
      %dma_wait3A_169 = arith.constant 0 : i32
      %dma_wait3A_170 = arith.constant 0 : i32
      %dma_wait3A_171 = tpu.memref_slice %arg6[%dma_wait3A_169, %dma_wait3A_170] : memref<128x128xf32, #tpu.memory_space<vmem>> -> memref<64x128xf32, #tpu.memory_space<vmem>>
      %dma_wait3A_172 = arith.constant 0 : i32
      %dma_wait3A_173 = tpu.memref_slice %arg5[%mul3A_141, %dma_wait3A_168, %dma_wait3A_172] : memref<27x2x128xi32, #tpu.memory_space<vmem>> -> memref<1x1x64xi32, #tpu.memory_space<vmem>>
      %dma_wait3A_174 = tpu.memref_squeeze %dma_wait3A_173 : memref<1x1x64xi32, #tpu.memory_space<vmem>> -> memref<64xi32, #tpu.memory_space<vmem>>
      %dma_wait3A_175 = arith.constant 0 : i32
      %dma_wait3A_176 = arith.constant 0 : i32
      %dma_wait3A_177 = tpu.memref_slice %arg2[%dma_wait3A_175, %dma_wait3A_176] : memref<10000x128xf32, #tpu.memory_space<hbm>> -> memref<10000x128xf32, #tpu.memory_space<hbm>>
      tpu.wait_indirect_dma semaphore(%arg9 : memref<!tpu.dma_semaphore, #tpu.memory_space<semaphore_mem>>) src(%dma_wait3A_177 : memref<10000x128xf32, #tpu.memory_space<hbm>>) dst(%dma_wait3A_171 : memref<64x128xf32, #tpu.memory_space<vmem>>)
      %dma_wait3A_178 = arith.constant 0 : i32
      %dma_wait3A_179 = arith.constant 64 : i32
      %dma_wait3A_180 = arith.constant 0 : i32
      %dma_wait3A_181 = tpu.memref_slice %arg6[%dma_wait3A_179, %dma_wait3A_180] : memref<128x128xf32, #tpu.memory_space<vmem>> -> memref<64x128xf32, #tpu.memory_space<vmem>>
      %dma_wait3A_182 = arith.constant 64 : i32
      %dma_wait3A_183 = tpu.memref_slice %arg5[%mul3A_141, %dma_wait3A_178, %dma_wait3A_182] : memref<27x2x128xi32, #tpu.memory_space<vmem>> -> memref<1x1x64xi32, #tpu.memory_space<vmem>>
      %dma_wait3A_184 = tpu.memref_squeeze %dma_wait3A_183 : memref<1x1x64xi32, #tpu.memory_space<vmem>> -> memref<64xi32, #tpu.memory_space<vmem>>
      %dma_wait3A_185 = arith.constant 0 : i32
      %dma_wait3A_186 = arith.constant 0 : i32
      %dma_wait3A_187 = tpu.memref_slice %arg2[%dma_wait3A_185, %dma_wait3A_186] : memref<10000x128xf32, #tpu.memory_space<hbm>> -> memref<10000x128xf32, #tpu.memory_space<hbm>>
      tpu.wait_indirect_dma semaphore(%arg9 : memref<!tpu.dma_semaphore, #tpu.memory_space<semaphore_mem>>) src(%dma_wait3A_187 : memref<10000x128xf32, #tpu.memory_space<hbm>>) dst(%dma_wait3A_181 : memref<64x128xf32, #tpu.memory_space<vmem>>)
      %dma_start3A_188 = arith.constant 1 : i32
      %dma_start3A_189 = arith.constant 0 : i32
      %dma_start3A_190 = tpu.memref_slice %arg5[%mul3A_141, %dma_start3A_188, %dma_start3A_189] : memref<27x2x128xi32, #tpu.memory_space<vmem>> -> memref<1x1x128xi32, #tpu.memory_space<vmem>>
      %dma_start3A_191 = tpu.memref_squeeze %dma_start3A_190 : memref<1x1x128xi32, #tpu.memory_space<vmem>> -> memref<128xi32, #tpu.memory_space<vmem>>
      %dma_start3A_192 = arith.constant 0 : i32
      %dma_start3A_193 = arith.constant 0 : i32
      %dma_start3A_194 = tpu.memref_slice %arg8[%dma_start3A_192, %dma_start3A_193] : memref<10240x128xf32, #tpu.memory_space<vmem_shared>> -> memref<10240x128xf32, #tpu.memory_space<vmem_shared>>
      tpu.enqueue_indirect_dma source(%arg6 : memref<128x128xf32, #tpu.memory_space<vmem>>) target(%dma_start3A_194 : memref<10240x128xf32, #tpu.memory_space<vmem_shared>>) offsets(%dma_start3A_191 : memref<128xi32, #tpu.memory_space<vmem>>) semaphore(%arg11 : memref<!tpu.dma_semaphore, #tpu.memory_space<semaphore_mem>>) {add = true}
      %dma_wait3A_195 = arith.constant 1 : i32
      %dma_wait3A_196 = arith.constant 0 : i32
      %dma_wait3A_197 = tpu.memref_slice %arg5[%mul3A_141, %dma_wait3A_195, %dma_wait3A_196] : memref<27x2x128xi32, #tpu.memory_space<vmem>> -> memref<1x1x128xi32, #tpu.memory_space<vmem>>
      %dma_wait3A_198 = tpu.memref_squeeze %dma_wait3A_197 : memref<1x1x128xi32, #tpu.memory_space<vmem>> -> memref<128xi32, #tpu.memory_space<vmem>>
      %dma_wait3A_199 = arith.constant 0 : i32
      %dma_wait3A_200 = arith.constant 0 : i32
      %dma_wait3A_201 = tpu.memref_slice %arg8[%dma_wait3A_199, %dma_wait3A_200] : memref<10240x128xf32, #tpu.memory_space<vmem_shared>> -> memref<10240x128xf32, #tpu.memory_space<vmem_shared>>
      tpu.wait_indirect_dma semaphore(%arg11 : memref<!tpu.dma_semaphore, #tpu.memory_space<semaphore_mem>>) src(%arg6 : memref<128x128xf32, #tpu.memory_space<vmem>>) dst(%dma_wait3A_201 : memref<10240x128xf32, #tpu.memory_space<vmem_shared>>)
      %lt3A_202 = arith.constant 12 : i32
      %lt3A_203 = arith.cmpi slt, %scan3A_138, %lt3A_202 : i32
      %convert_element_type3A_204 = arith.extui %lt3A_203 : i1 to i32
      %cond3A_205 = arith.constant 0 : i32
      %cond3A_206 = arith.cmpi ne, %convert_element_type3A_204, %cond3A_205 : i32
      scf.if %cond3A_206 {
        %add3A_235 = arith.constant 2 : i32
        %add3A_236 = arith.addi %mul3A_141, %add3A_235 : i32
        %dma_start3A_237 = arith.constant 0 : i32
        %dma_start3A_238 = arith.constant 0 : i32
        %dma_start3A_239 = arith.constant 0 : i32
        %dma_start3A_240 = tpu.memref_slice %arg6[%dma_start3A_238, %dma_start3A_239] : memref<128x128xf32, #tpu.memory_space<vmem>> -> memref<64x128xf32, #tpu.memory_space<vmem>>
        %dma_start3A_241 = arith.constant 0 : i32
        %dma_start3A_242 = tpu.memref_slice %arg5[%add3A_236, %dma_start3A_237, %dma_start3A_241] : memref<27x2x128xi32, #tpu.memory_space<vmem>> -> memref<1x1x64xi32, #tpu.memory_space<vmem>>
        %dma_start3A_243 = tpu.memref_squeeze %dma_start3A_242 : memref<1x1x64xi32, #tpu.memory_space<vmem>> -> memref<64xi32, #tpu.memory_space<vmem>>
        %dma_start3A_244 = arith.constant 0 : i32
        %dma_start3A_245 = arith.constant 0 : i32
        %dma_start3A_246 = tpu.memref_slice %arg2[%dma_start3A_244, %dma_start3A_245] : memref<10000x128xf32, #tpu.memory_space<hbm>> -> memref<10000x128xf32, #tpu.memory_space<hbm>>
        tpu.enqueue_indirect_dma source(%dma_start3A_246 : memref<10000x128xf32, #tpu.memory_space<hbm>>) target(%dma_start3A_240 : memref<64x128xf32, #tpu.memory_space<vmem>>) offsets(%dma_start3A_243 : memref<64xi32, #tpu.memory_space<vmem>>) semaphore(%arg9 : memref<!tpu.dma_semaphore, #tpu.memory_space<semaphore_mem>>)
        %dma_start3A_247 = arith.constant 0 : i32
        %dma_start3A_248 = arith.constant 64 : i32
        %dma_start3A_249 = arith.constant 0 : i32
        %dma_start3A_250 = tpu.memref_slice %arg6[%dma_start3A_248, %dma_start3A_249] : memref<128x128xf32, #tpu.memory_space<vmem>> -> memref<64x128xf32, #tpu.memory_space<vmem>>
        %dma_start3A_251 = arith.constant 64 : i32
        %dma_start3A_252 = tpu.memref_slice %arg5[%add3A_236, %dma_start3A_247, %dma_start3A_251] : memref<27x2x128xi32, #tpu.memory_space<vmem>> -> memref<1x1x64xi32, #tpu.memory_space<vmem>>
        %dma_start3A_253 = tpu.memref_squeeze %dma_start3A_252 : memref<1x1x64xi32, #tpu.memory_space<vmem>> -> memref<64xi32, #tpu.memory_space<vmem>>
        %dma_start3A_254 = arith.constant 0 : i32
        %dma_start3A_255 = arith.constant 0 : i32
        %dma_start3A_256 = tpu.memref_slice %arg2[%dma_start3A_254, %dma_start3A_255] : memref<10000x128xf32, #tpu.memory_space<hbm>> -> memref<10000x128xf32, #tpu.memory_space<hbm>>
        tpu.enqueue_indirect_dma source(%dma_start3A_256 : memref<10000x128xf32, #tpu.memory_space<hbm>>) target(%dma_start3A_250 : memref<64x128xf32, #tpu.memory_space<vmem>>) offsets(%dma_start3A_253 : memref<64xi32, #tpu.memory_space<vmem>>) semaphore(%arg9 : memref<!tpu.dma_semaphore, #tpu.memory_space<semaphore_mem>>)
      } else {
      }
      %dma_wait3A_207 = arith.constant 0 : i32
      %dma_wait3A_208 = arith.constant 0 : i32
      %dma_wait3A_209 = arith.constant 0 : i32
      %dma_wait3A_210 = tpu.memref_slice %arg7[%dma_wait3A_208, %dma_wait3A_209] : memref<128x128xf32, #tpu.memory_space<vmem>> -> memref<64x128xf32, #tpu.memory_space<vmem>>
      %dma_wait3A_211 = arith.constant 0 : i32
      %dma_wait3A_212 = tpu.memref_slice %arg5[%add3A_143, %dma_wait3A_207, %dma_wait3A_211] : memref<27x2x128xi32, #tpu.memory_space<vmem>> -> memref<1x1x64xi32, #tpu.memory_space<vmem>>
      %dma_wait3A_213 = tpu.memref_squeeze %dma_wait3A_212 : memref<1x1x64xi32, #tpu.memory_space<vmem>> -> memref<64xi32, #tpu.memory_space<vmem>>
      %dma_wait3A_214 = arith.constant 0 : i32
      %dma_wait3A_215 = arith.constant 0 : i32
      %dma_wait3A_216 = tpu.memref_slice %arg2[%dma_wait3A_214, %dma_wait3A_215] : memref<10000x128xf32, #tpu.memory_space<hbm>> -> memref<10000x128xf32, #tpu.memory_space<hbm>>
      tpu.wait_indirect_dma semaphore(%arg10 : memref<!tpu.dma_semaphore, #tpu.memory_space<semaphore_mem>>) src(%dma_wait3A_216 : memref<10000x128xf32, #tpu.memory_space<hbm>>) dst(%dma_wait3A_210 : memref<64x128xf32, #tpu.memory_space<vmem>>)
      %dma_wait3A_217 = arith.constant 0 : i32
      %dma_wait3A_218 = arith.constant 64 : i32
      %dma_wait3A_219 = arith.constant 0 : i32
      %dma_wait3A_220 = tpu.memref_slice %arg7[%dma_wait3A_218, %dma_wait3A_219] : memref<128x128xf32, #tpu.memory_space<vmem>> -> memref<64x128xf32, #tpu.memory_space<vmem>>
      %dma_wait3A_221 = arith.constant 64 : i32
      %dma_wait3A_222 = tpu.memref_slice %arg5[%add3A_143, %dma_wait3A_217, %dma_wait3A_221] : memref<27x2x128xi32, #tpu.memory_space<vmem>> -> memref<1x1x64xi32, #tpu.memory_space<vmem>>
      %dma_wait3A_223 = tpu.memref_squeeze %dma_wait3A_222 : memref<1x1x64xi32, #tpu.memory_space<vmem>> -> memref<64xi32, #tpu.memory_space<vmem>>
      %dma_wait3A_224 = arith.constant 0 : i32
      %dma_wait3A_225 = arith.constant 0 : i32
      %dma_wait3A_226 = tpu.memref_slice %arg2[%dma_wait3A_224, %dma_wait3A_225] : memref<10000x128xf32, #tpu.memory_space<hbm>> -> memref<10000x128xf32, #tpu.memory_space<hbm>>
      tpu.wait_indirect_dma semaphore(%arg10 : memref<!tpu.dma_semaphore, #tpu.memory_space<semaphore_mem>>) src(%dma_wait3A_226 : memref<10000x128xf32, #tpu.memory_space<hbm>>) dst(%dma_wait3A_220 : memref<64x128xf32, #tpu.memory_space<vmem>>)
      %dma_start3A_227 = arith.constant 1 : i32
      %dma_start3A_228 = arith.constant 0 : i32
      %dma_start3A_229 = tpu.memref_slice %arg5[%add3A_143, %dma_start3A_227, %dma_start3A_228] : memref<27x2x128xi32, #tpu.memory_space<vmem>> -> memref<1x1x128xi32, #tpu.memory_space<vmem>>
      %dma_start3A_230 = tpu.memref_squeeze %dma_start3A_229 : memref<1x1x128xi32, #tpu.memory_space<vmem>> -> memref<128xi32, #tpu.memory_space<vmem>>
      %dma_start3A_231 = arith.constant 0 : i32
      %dma_start3A_232 = arith.constant 0 : i32
      %dma_start3A_233 = tpu.memref_slice %arg8[%dma_start3A_231, %dma_start3A_232] : memref<10240x128xf32, #tpu.memory_space<vmem_shared>> -> memref<10240x128xf32, #tpu.memory_space<vmem_shared>>
      tpu.enqueue_indirect_dma source(%arg7 : memref<128x128xf32, #tpu.memory_space<vmem>>) target(%dma_start3A_233 : memref<10240x128xf32, #tpu.memory_space<vmem_shared>>) offsets(%dma_start3A_230 : memref<128xi32, #tpu.memory_space<vmem>>) semaphore(%arg12 : memref<!tpu.dma_semaphore, #tpu.memory_space<semaphore_mem>>) {add = true}
      %scan3A_234 = arith.constant 0 : i32
      scf.yield %scan3A_234 : i32
    }
    %scan3A_84 = arith.constant 13 : i32
    %dma_wait3A_85 = arith.constant 25 : i32
    %dma_wait3A_86 = arith.constant 1 : i32
    %dma_wait3A_87 = arith.constant 0 : i32
    %dma_wait3A_88 = tpu.memref_slice %arg5[%dma_wait3A_85, %dma_wait3A_86, %dma_wait3A_87] : memref<27x2x128xi32, #tpu.memory_space<vmem>> -> memref<1x1x128xi32, #tpu.memory_space<vmem>>
    %dma_wait3A_89 = tpu.memref_squeeze %dma_wait3A_88 : memref<1x1x128xi32, #tpu.memory_space<vmem>> -> memref<128xi32, #tpu.memory_space<vmem>>
    %dma_wait3A_90 = arith.constant 0 : i32
    %dma_wait3A_91 = arith.constant 0 : i32
    %dma_wait3A_92 = tpu.memref_slice %arg8[%dma_wait3A_90, %dma_wait3A_91] : memref<10240x128xf32, #tpu.memory_space<vmem_shared>> -> memref<10240x128xf32, #tpu.memory_space<vmem_shared>>
    tpu.wait_indirect_dma semaphore(%arg12 : memref<!tpu.dma_semaphore, #tpu.memory_space<semaphore_mem>>) src(%arg7 : memref<128x128xf32, #tpu.memory_space<vmem>>) dst(%dma_wait3A_92 : memref<10240x128xf32, #tpu.memory_space<vmem_shared>>)
    %add3A_93 = arith.constant 52 : i32
    %add3A_94 = arith.addi %mul3A_2, %add3A_93 : i32
    "tpu.region"() ({
      %run_scoped3A = tpu.sem_alloc : memref<!tpu.dma_semaphore, #tpu.memory_space<semaphore_mem>>
      %dma_start3A_138 = arith.constant 0 : i32
      %dma_start3A_139 = arith.constant 0 : i32
      %dma_start3A_140 = arith.constant 0 : i32
      %dma_start3A_141 = tpu.memref_slice %arg5[%dma_start3A_138, %dma_start3A_139, %dma_start3A_140] : memref<27x2x128xi32, #tpu.memory_space<vmem>> -> memref<26x2x128xi32, #tpu.memory_space<vmem>>
      %dma_start3A_142 = arith.constant 0 : i32
      %dma_start3A_143 = arith.constant 0 : i32
      %dma_start3A_144 = tpu.memref_slice %arg3[%add3A_94, %dma_start3A_142, %dma_start3A_143] : memref<2500x2x128xi32, #tpu.memory_space<hbm>> -> memref<26x2x128xi32, #tpu.memory_space<hbm>>
      %dma_start3A_145 = arith.constant 0 : i32
      %dma_start3A_146 = arith.constant 0 : i32
      %dma_start3A_147 = arith.constant 0 : i32
      %dma_start3A_148 = tpu.memref_slice %arg5[%dma_start3A_145, %dma_start3A_146, %dma_start3A_147] : memref<27x2x128xi32, #tpu.memory_space<vmem>> -> memref<26x2x128xi32, #tpu.memory_space<vmem>>
      %dma_start3A_149 = arith.constant 0 : i32
      %dma_start3A_150 = arith.constant 0 : i32
      %dma_start3A_151 = tpu.memref_slice %arg3[%add3A_94, %dma_start3A_149, %dma_start3A_150] : memref<2500x2x128xi32, #tpu.memory_space<hbm>> -> memref<26x2x128xi32, #tpu.memory_space<hbm>>
      tpu.enqueue_dma source(%dma_start3A_151 : memref<26x2x128xi32, #tpu.memory_space<hbm>>) target(%dma_start3A_148 : memref<26x2x128xi32, #tpu.memory_space<vmem>>) target_semaphore(%run_scoped3A : memref<!tpu.dma_semaphore, #tpu.memory_space<semaphore_mem>>)
      %dma_wait3A_152 = arith.constant 0 : i32
      %dma_wait3A_153 = arith.constant 0 : i32
      %dma_wait3A_154 = arith.constant 0 : i32
      %dma_wait3A_155 = tpu.memref_slice %arg5[%dma_wait3A_152, %dma_wait3A_153, %dma_wait3A_154] : memref<27x2x128xi32, #tpu.memory_space<vmem>> -> memref<26x2x128xi32, #tpu.memory_space<vmem>>
      %dma_wait3A_156 = arith.constant 0 : i32
      %dma_wait3A_157 = arith.constant 0 : i32
      %dma_wait3A_158 = tpu.memref_slice %arg3[%add3A_94, %dma_wait3A_156, %dma_wait3A_157] : memref<2500x2x128xi32, #tpu.memory_space<hbm>> -> memref<26x2x128xi32, #tpu.memory_space<hbm>>
      %dma_wait3A_159 = arith.constant 0 : i32
      %dma_wait3A_160 = arith.constant 0 : i32
      %dma_wait3A_161 = arith.constant 0 : i32
      %dma_wait3A_162 = tpu.memref_slice %arg5[%dma_wait3A_159, %dma_wait3A_160, %dma_wait3A_161] : memref<27x2x128xi32, #tpu.memory_space<vmem>> -> memref<26x2x128xi32, #tpu.memory_space<vmem>>
      %dma_wait3A_163 = arith.constant 0 : i32
      %dma_wait3A_164 = arith.constant 0 : i32
      %dma_wait3A_165 = tpu.memref_slice %arg3[%add3A_94, %dma_wait3A_163, %dma_wait3A_164] : memref<2500x2x128xi32, #tpu.memory_space<hbm>> -> memref<26x2x128xi32, #tpu.memory_space<hbm>>
      tpu.wait_dma2 semaphore(%run_scoped3A : memref<!tpu.dma_semaphore, #tpu.memory_space<semaphore_mem>>) src(%dma_wait3A_165 : memref<26x2x128xi32, #tpu.memory_space<hbm>>) dst(%dma_wait3A_162 : memref<26x2x128xi32, #tpu.memory_space<vmem>>)
      tpu.yield
    }) : () -> ()
    %dma_start3A_95 = arith.constant 0 : i32
    %dma_start3A_96 = arith.constant 0 : i32
    %dma_start3A_97 = arith.constant 0 : i32
    %dma_start3A_98 = arith.constant 0 : i32
    %dma_start3A_99 = tpu.memref_slice %arg6[%dma_start3A_97, %dma_start3A_98] : memref<128x128xf32, #tpu.memory_space<vmem>> -> memref<64x128xf32, #tpu.memory_space<vmem>>
    %dma_start3A_100 = arith.constant 0 : i32
    %dma_start3A_101 = tpu.memref_slice %arg5[%dma_start3A_95, %dma_start3A_96, %dma_start3A_100] : memref<27x2x128xi32, #tpu.memory_space<vmem>> -> memref<1x1x64xi32, #tpu.memory_space<vmem>>
    %dma_start3A_102 = tpu.memref_squeeze %dma_start3A_101 : memref<1x1x64xi32, #tpu.memory_space<vmem>> -> memref<64xi32, #tpu.memory_space<vmem>>
    %dma_start3A_103 = arith.constant 0 : i32
    %dma_start3A_104 = arith.constant 0 : i32
    %dma_start3A_105 = tpu.memref_slice %arg2[%dma_start3A_103, %dma_start3A_104] : memref<10000x128xf32, #tpu.memory_space<hbm>> -> memref<10000x128xf32, #tpu.memory_space<hbm>>
    tpu.enqueue_indirect_dma source(%dma_start3A_105 : memref<10000x128xf32, #tpu.memory_space<hbm>>) target(%dma_start3A_99 : memref<64x128xf32, #tpu.memory_space<vmem>>) offsets(%dma_start3A_102 : memref<64xi32, #tpu.memory_space<vmem>>) semaphore(%arg9 : memref<!tpu.dma_semaphore, #tpu.memory_space<semaphore_mem>>)
    %dma_start3A_106 = arith.constant 0 : i32
    %dma_start3A_107 = arith.constant 0 : i32
    %dma_start3A_108 = arith.constant 64 : i32
    %dma_start3A_109 = arith.constant 0 : i32
    %dma_start3A_110 = tpu.memref_slice %arg6[%dma_start3A_108, %dma_start3A_109] : memref<128x128xf32, #tpu.memory_space<vmem>> -> memref<64x128xf32, #tpu.memory_space<vmem>>
    %dma_start3A_111 = arith.constant 64 : i32
    %dma_start3A_112 = tpu.memref_slice %arg5[%dma_start3A_106, %dma_start3A_107, %dma_start3A_111] : memref<27x2x128xi32, #tpu.memory_space<vmem>> -> memref<1x1x64xi32, #tpu.memory_space<vmem>>
    %dma_start3A_113 = tpu.memref_squeeze %dma_start3A_112 : memref<1x1x64xi32, #tpu.memory_space<vmem>> -> memref<64xi32, #tpu.memory_space<vmem>>
    %dma_start3A_114 = arith.constant 0 : i32
    %dma_start3A_115 = arith.constant 0 : i32
    %dma_start3A_116 = tpu.memref_slice %arg2[%dma_start3A_114, %dma_start3A_115] : memref<10000x128xf32, #tpu.memory_space<hbm>> -> memref<10000x128xf32, #tpu.memory_space<hbm>>
    tpu.enqueue_indirect_dma source(%dma_start3A_116 : memref<10000x128xf32, #tpu.memory_space<hbm>>) target(%dma_start3A_110 : memref<64x128xf32, #tpu.memory_space<vmem>>) offsets(%dma_start3A_113 : memref<64xi32, #tpu.memory_space<vmem>>) semaphore(%arg9 : memref<!tpu.dma_semaphore, #tpu.memory_space<semaphore_mem>>)
    %scan3A_117 = arith.constant 0 : i32
    %scan3A_118 = arith.constant 0 : i32
    %scan3A_119 = arith.constant 13 : i32
    %scan3A_120 = arith.addi %scan3A_118, %scan3A_119 : i32
    %scan3A_121 = arith.constant 1 : i32
    %scan3A_122 = scf.for %scan3A_138 = %scan3A_118 to %scan3A_120 step %scan3A_121 iter_args(%scan3A_139 = %scan3A_117) -> (i32)  : i32 {
      %mul3A_140 = arith.constant 2 : i32
      %mul3A_141 = arith.muli %mul3A_140, %scan3A_138 : i32
      %add3A_142 = arith.constant 1 : i32
      %add3A_143 = arith.addi %mul3A_141, %add3A_142 : i32
      %gt3A = arith.constant 0 : i32
      %gt3A_144 = arith.cmpi sgt, %scan3A_138, %gt3A : i32
      %convert_element_type3A_145 = arith.extui %gt3A_144 : i1 to i32
      %cond3A_146 = arith.constant 0 : i32
      %cond3A_147 = arith.cmpi ne, %convert_element_type3A_145, %cond3A_146 : i32
      scf.if %cond3A_147 {
        %sub3A = arith.constant 2 : i32
        %sub3A_235 = arith.subi %add3A_143, %sub3A : i32
        %dma_wait3A_236 = arith.constant 1 : i32
        %dma_wait3A_237 = arith.constant 0 : i32
        %dma_wait3A_238 = tpu.memref_slice %arg5[%sub3A_235, %dma_wait3A_236, %dma_wait3A_237] : memref<27x2x128xi32, #tpu.memory_space<vmem>> -> memref<1x1x128xi32, #tpu.memory_space<vmem>>
        %dma_wait3A_239 = tpu.memref_squeeze %dma_wait3A_238 : memref<1x1x128xi32, #tpu.memory_space<vmem>> -> memref<128xi32, #tpu.memory_space<vmem>>
        %dma_wait3A_240 = arith.constant 0 : i32
        %dma_wait3A_241 = arith.constant 0 : i32
        %dma_wait3A_242 = tpu.memref_slice %arg8[%dma_wait3A_240, %dma_wait3A_241] : memref<10240x128xf32, #tpu.memory_space<vmem_shared>> -> memref<10240x128xf32, #tpu.memory_space<vmem_shared>>
        tpu.wait_indirect_dma semaphore(%arg12 : memref<!tpu.dma_semaphore, #tpu.memory_space<semaphore_mem>>) src(%arg7 : memref<128x128xf32, #tpu.memory_space<vmem>>) dst(%dma_wait3A_242 : memref<10240x128xf32, #tpu.memory_space<vmem_shared>>)
      } else {
      }
      %dma_start3A_148 = arith.constant 0 : i32
      %dma_start3A_149 = arith.constant 0 : i32
      %dma_start3A_150 = arith.constant 0 : i32
      %dma_start3A_151 = tpu.memref_slice %arg7[%dma_start3A_149, %dma_start3A_150] : memref<128x128xf32, #tpu.memory_space<vmem>> -> memref<64x128xf32, #tpu.memory_space<vmem>>
      %dma_start3A_152 = arith.constant 0 : i32
      %dma_start3A_153 = tpu.memref_slice %arg5[%add3A_143, %dma_start3A_148, %dma_start3A_152] : memref<27x2x128xi32, #tpu.memory_space<vmem>> -> memref<1x1x64xi32, #tpu.memory_space<vmem>>
      %dma_start3A_154 = tpu.memref_squeeze %dma_start3A_153 : memref<1x1x64xi32, #tpu.memory_space<vmem>> -> memref<64xi32, #tpu.memory_space<vmem>>
      %dma_start3A_155 = arith.constant 0 : i32
      %dma_start3A_156 = arith.constant 0 : i32
      %dma_start3A_157 = tpu.memref_slice %arg2[%dma_start3A_155, %dma_start3A_156] : memref<10000x128xf32, #tpu.memory_space<hbm>> -> memref<10000x128xf32, #tpu.memory_space<hbm>>
      tpu.enqueue_indirect_dma source(%dma_start3A_157 : memref<10000x128xf32, #tpu.memory_space<hbm>>) target(%dma_start3A_151 : memref<64x128xf32, #tpu.memory_space<vmem>>) offsets(%dma_start3A_154 : memref<64xi32, #tpu.memory_space<vmem>>) semaphore(%arg10 : memref<!tpu.dma_semaphore, #tpu.memory_space<semaphore_mem>>)
      %dma_start3A_158 = arith.constant 0 : i32
      %dma_start3A_159 = arith.constant 64 : i32
      %dma_start3A_160 = arith.constant 0 : i32
      %dma_start3A_161 = tpu.memref_slice %arg7[%dma_start3A_159, %dma_start3A_160] : memref<128x128xf32, #tpu.memory_space<vmem>> -> memref<64x128xf32, #tpu.memory_space<vmem>>
      %dma_start3A_162 = arith.constant 64 : i32
      %dma_start3A_163 = tpu.memref_slice %arg5[%add3A_143, %dma_start3A_158, %dma_start3A_162] : memref<27x2x128xi32, #tpu.memory_space<vmem>> -> memref<1x1x64xi32, #tpu.memory_space<vmem>>
      %dma_start3A_164 = tpu.memref_squeeze %dma_start3A_163 : memref<1x1x64xi32, #tpu.memory_space<vmem>> -> memref<64xi32, #tpu.memory_space<vmem>>
      %dma_start3A_165 = arith.constant 0 : i32
      %dma_start3A_166 = arith.constant 0 : i32
      %dma_start3A_167 = tpu.memref_slice %arg2[%dma_start3A_165, %dma_start3A_166] : memref<10000x128xf32, #tpu.memory_space<hbm>> -> memref<10000x128xf32, #tpu.memory_space<hbm>>
      tpu.enqueue_indirect_dma source(%dma_start3A_167 : memref<10000x128xf32, #tpu.memory_space<hbm>>) target(%dma_start3A_161 : memref<64x128xf32, #tpu.memory_space<vmem>>) offsets(%dma_start3A_164 : memref<64xi32, #tpu.memory_space<vmem>>) semaphore(%arg10 : memref<!tpu.dma_semaphore, #tpu.memory_space<semaphore_mem>>)
      %dma_wait3A_168 = arith.constant 0 : i32
      %dma_wait3A_169 = arith.constant 0 : i32
      %dma_wait3A_170 = arith.constant 0 : i32
      %dma_wait3A_171 = tpu.memref_slice %arg6[%dma_wait3A_169, %dma_wait3A_170] : memref<128x128xf32, #tpu.memory_space<vmem>> -> memref<64x128xf32, #tpu.memory_space<vmem>>
      %dma_wait3A_172 = arith.constant 0 : i32
      %dma_wait3A_173 = tpu.memref_slice %arg5[%mul3A_141, %dma_wait3A_168, %dma_wait3A_172] : memref<27x2x128xi32, #tpu.memory_space<vmem>> -> memref<1x1x64xi32, #tpu.memory_space<vmem>>
      %dma_wait3A_174 = tpu.memref_squeeze %dma_wait3A_173 : memref<1x1x64xi32, #tpu.memory_space<vmem>> -> memref<64xi32, #tpu.memory_space<vmem>>
      %dma_wait3A_175 = arith.constant 0 : i32
      %dma_wait3A_176 = arith.constant 0 : i32
      %dma_wait3A_177 = tpu.memref_slice %arg2[%dma_wait3A_175, %dma_wait3A_176] : memref<10000x128xf32, #tpu.memory_space<hbm>> -> memref<10000x128xf32, #tpu.memory_space<hbm>>
      tpu.wait_indirect_dma semaphore(%arg9 : memref<!tpu.dma_semaphore, #tpu.memory_space<semaphore_mem>>) src(%dma_wait3A_177 : memref<10000x128xf32, #tpu.memory_space<hbm>>) dst(%dma_wait3A_171 : memref<64x128xf32, #tpu.memory_space<vmem>>)
      %dma_wait3A_178 = arith.constant 0 : i32
      %dma_wait3A_179 = arith.constant 64 : i32
      %dma_wait3A_180 = arith.constant 0 : i32
      %dma_wait3A_181 = tpu.memref_slice %arg6[%dma_wait3A_179, %dma_wait3A_180] : memref<128x128xf32, #tpu.memory_space<vmem>> -> memref<64x128xf32, #tpu.memory_space<vmem>>
      %dma_wait3A_182 = arith.constant 64 : i32
      %dma_wait3A_183 = tpu.memref_slice %arg5[%mul3A_141, %dma_wait3A_178, %dma_wait3A_182] : memref<27x2x128xi32, #tpu.memory_space<vmem>> -> memref<1x1x64xi32, #tpu.memory_space<vmem>>
      %dma_wait3A_184 = tpu.memref_squeeze %dma_wait3A_183 : memref<1x1x64xi32, #tpu.memory_space<vmem>> -> memref<64xi32, #tpu.memory_space<vmem>>
      %dma_wait3A_185 = arith.constant 0 : i32
      %dma_wait3A_186 = arith.constant 0 : i32
      %dma_wait3A_187 = tpu.memref_slice %arg2[%dma_wait3A_185, %dma_wait3A_186] : memref<10000x128xf32, #tpu.memory_space<hbm>> -> memref<10000x128xf32, #tpu.memory_space<hbm>>
      tpu.wait_indirect_dma semaphore(%arg9 : memref<!tpu.dma_semaphore, #tpu.memory_space<semaphore_mem>>) src(%dma_wait3A_187 : memref<10000x128xf32, #tpu.memory_space<hbm>>) dst(%dma_wait3A_181 : memref<64x128xf32, #tpu.memory_space<vmem>>)
      %dma_start3A_188 = arith.constant 1 : i32
      %dma_start3A_189 = arith.constant 0 : i32
      %dma_start3A_190 = tpu.memref_slice %arg5[%mul3A_141, %dma_start3A_188, %dma_start3A_189] : memref<27x2x128xi32, #tpu.memory_space<vmem>> -> memref<1x1x128xi32, #tpu.memory_space<vmem>>
      %dma_start3A_191 = tpu.memref_squeeze %dma_start3A_190 : memref<1x1x128xi32, #tpu.memory_space<vmem>> -> memref<128xi32, #tpu.memory_space<vmem>>
      %dma_start3A_192 = arith.constant 0 : i32
      %dma_start3A_193 = arith.constant 0 : i32
      %dma_start3A_194 = tpu.memref_slice %arg8[%dma_start3A_192, %dma_start3A_193] : memref<10240x128xf32, #tpu.memory_space<vmem_shared>> -> memref<10240x128xf32, #tpu.memory_space<vmem_shared>>
      tpu.enqueue_indirect_dma source(%arg6 : memref<128x128xf32, #tpu.memory_space<vmem>>) target(%dma_start3A_194 : memref<10240x128xf32, #tpu.memory_space<vmem_shared>>) offsets(%dma_start3A_191 : memref<128xi32, #tpu.memory_space<vmem>>) semaphore(%arg11 : memref<!tpu.dma_semaphore, #tpu.memory_space<semaphore_mem>>) {add = true}
      %dma_wait3A_195 = arith.constant 1 : i32
      %dma_wait3A_196 = arith.constant 0 : i32
      %dma_wait3A_197 = tpu.memref_slice %arg5[%mul3A_141, %dma_wait3A_195, %dma_wait3A_196] : memref<27x2x128xi32, #tpu.memory_space<vmem>> -> memref<1x1x128xi32, #tpu.memory_space<vmem>>
      %dma_wait3A_198 = tpu.memref_squeeze %dma_wait3A_197 : memref<1x1x128xi32, #tpu.memory_space<vmem>> -> memref<128xi32, #tpu.memory_space<vmem>>
      %dma_wait3A_199 = arith.constant 0 : i32
      %dma_wait3A_200 = arith.constant 0 : i32
      %dma_wait3A_201 = tpu.memref_slice %arg8[%dma_wait3A_199, %dma_wait3A_200] : memref<10240x128xf32, #tpu.memory_space<vmem_shared>> -> memref<10240x128xf32, #tpu.memory_space<vmem_shared>>
      tpu.wait_indirect_dma semaphore(%arg11 : memref<!tpu.dma_semaphore, #tpu.memory_space<semaphore_mem>>) src(%arg6 : memref<128x128xf32, #tpu.memory_space<vmem>>) dst(%dma_wait3A_201 : memref<10240x128xf32, #tpu.memory_space<vmem_shared>>)
      %lt3A_202 = arith.constant 12 : i32
      %lt3A_203 = arith.cmpi slt, %scan3A_138, %lt3A_202 : i32
      %convert_element_type3A_204 = arith.extui %lt3A_203 : i1 to i32
      %cond3A_205 = arith.constant 0 : i32
      %cond3A_206 = arith.cmpi ne, %convert_element_type3A_204, %cond3A_205 : i32
      scf.if %cond3A_206 {
        %add3A_235 = arith.constant 2 : i32
        %add3A_236 = arith.addi %mul3A_141, %add3A_235 : i32
        %dma_start3A_237 = arith.constant 0 : i32
        %dma_start3A_238 = arith.constant 0 : i32
        %dma_start3A_239 = arith.constant 0 : i32
        %dma_start3A_240 = tpu.memref_slice %arg6[%dma_start3A_238, %dma_start3A_239] : memref<128x128xf32, #tpu.memory_space<vmem>> -> memref<64x128xf32, #tpu.memory_space<vmem>>
        %dma_start3A_241 = arith.constant 0 : i32
        %dma_start3A_242 = tpu.memref_slice %arg5[%add3A_236, %dma_start3A_237, %dma_start3A_241] : memref<27x2x128xi32, #tpu.memory_space<vmem>> -> memref<1x1x64xi32, #tpu.memory_space<vmem>>
        %dma_start3A_243 = tpu.memref_squeeze %dma_start3A_242 : memref<1x1x64xi32, #tpu.memory_space<vmem>> -> memref<64xi32, #tpu.memory_space<vmem>>
        %dma_start3A_244 = arith.constant 0 : i32
        %dma_start3A_245 = arith.constant 0 : i32
        %dma_start3A_246 = tpu.memref_slice %arg2[%dma_start3A_244, %dma_start3A_245] : memref<10000x128xf32, #tpu.memory_space<hbm>> -> memref<10000x128xf32, #tpu.memory_space<hbm>>
        tpu.enqueue_indirect_dma source(%dma_start3A_246 : memref<10000x128xf32, #tpu.memory_space<hbm>>) target(%dma_start3A_240 : memref<64x128xf32, #tpu.memory_space<vmem>>) offsets(%dma_start3A_243 : memref<64xi32, #tpu.memory_space<vmem>>) semaphore(%arg9 : memref<!tpu.dma_semaphore, #tpu.memory_space<semaphore_mem>>)
        %dma_start3A_247 = arith.constant 0 : i32
        %dma_start3A_248 = arith.constant 64 : i32
        %dma_start3A_249 = arith.constant 0 : i32
        %dma_start3A_250 = tpu.memref_slice %arg6[%dma_start3A_248, %dma_start3A_249] : memref<128x128xf32, #tpu.memory_space<vmem>> -> memref<64x128xf32, #tpu.memory_space<vmem>>
        %dma_start3A_251 = arith.constant 64 : i32
        %dma_start3A_252 = tpu.memref_slice %arg5[%add3A_236, %dma_start3A_247, %dma_start3A_251] : memref<27x2x128xi32, #tpu.memory_space<vmem>> -> memref<1x1x64xi32, #tpu.memory_space<vmem>>
        %dma_start3A_253 = tpu.memref_squeeze %dma_start3A_252 : memref<1x1x64xi32, #tpu.memory_space<vmem>> -> memref<64xi32, #tpu.memory_space<vmem>>
        %dma_start3A_254 = arith.constant 0 : i32
        %dma_start3A_255 = arith.constant 0 : i32
        %dma_start3A_256 = tpu.memref_slice %arg2[%dma_start3A_254, %dma_start3A_255] : memref<10000x128xf32, #tpu.memory_space<hbm>> -> memref<10000x128xf32, #tpu.memory_space<hbm>>
        tpu.enqueue_indirect_dma source(%dma_start3A_256 : memref<10000x128xf32, #tpu.memory_space<hbm>>) target(%dma_start3A_250 : memref<64x128xf32, #tpu.memory_space<vmem>>) offsets(%dma_start3A_253 : memref<64xi32, #tpu.memory_space<vmem>>) semaphore(%arg9 : memref<!tpu.dma_semaphore, #tpu.memory_space<semaphore_mem>>)
      } else {
      }
      %dma_wait3A_207 = arith.constant 0 : i32
      %dma_wait3A_208 = arith.constant 0 : i32
      %dma_wait3A_209 = arith.constant 0 : i32
      %dma_wait3A_210 = tpu.memref_slice %arg7[%dma_wait3A_208, %dma_wait3A_209] : memref<128x128xf32, #tpu.memory_space<vmem>> -> memref<64x128xf32, #tpu.memory_space<vmem>>
      %dma_wait3A_211 = arith.constant 0 : i32
      %dma_wait3A_212 = tpu.memref_slice %arg5[%add3A_143, %dma_wait3A_207, %dma_wait3A_211] : memref<27x2x128xi32, #tpu.memory_space<vmem>> -> memref<1x1x64xi32, #tpu.memory_space<vmem>>
      %dma_wait3A_213 = tpu.memref_squeeze %dma_wait3A_212 : memref<1x1x64xi32, #tpu.memory_space<vmem>> -> memref<64xi32, #tpu.memory_space<vmem>>
      %dma_wait3A_214 = arith.constant 0 : i32
      %dma_wait3A_215 = arith.constant 0 : i32
      %dma_wait3A_216 = tpu.memref_slice %arg2[%dma_wait3A_214, %dma_wait3A_215] : memref<10000x128xf32, #tpu.memory_space<hbm>> -> memref<10000x128xf32, #tpu.memory_space<hbm>>
      tpu.wait_indirect_dma semaphore(%arg10 : memref<!tpu.dma_semaphore, #tpu.memory_space<semaphore_mem>>) src(%dma_wait3A_216 : memref<10000x128xf32, #tpu.memory_space<hbm>>) dst(%dma_wait3A_210 : memref<64x128xf32, #tpu.memory_space<vmem>>)
      %dma_wait3A_217 = arith.constant 0 : i32
      %dma_wait3A_218 = arith.constant 64 : i32
      %dma_wait3A_219 = arith.constant 0 : i32
      %dma_wait3A_220 = tpu.memref_slice %arg7[%dma_wait3A_218, %dma_wait3A_219] : memref<128x128xf32, #tpu.memory_space<vmem>> -> memref<64x128xf32, #tpu.memory_space<vmem>>
      %dma_wait3A_221 = arith.constant 64 : i32
      %dma_wait3A_222 = tpu.memref_slice %arg5[%add3A_143, %dma_wait3A_217, %dma_wait3A_221] : memref<27x2x128xi32, #tpu.memory_space<vmem>> -> memref<1x1x64xi32, #tpu.memory_space<vmem>>
      %dma_wait3A_223 = tpu.memref_squeeze %dma_wait3A_222 : memref<1x1x64xi32, #tpu.memory_space<vmem>> -> memref<64xi32, #tpu.memory_space<vmem>>
      %dma_wait3A_224 = arith.constant 0 : i32
      %dma_wait3A_225 = arith.constant 0 : i32
      %dma_wait3A_226 = tpu.memref_slice %arg2[%dma_wait3A_224, %dma_wait3A_225] : memref<10000x128xf32, #tpu.memory_space<hbm>> -> memref<10000x128xf32, #tpu.memory_space<hbm>>
      tpu.wait_indirect_dma semaphore(%arg10 : memref<!tpu.dma_semaphore, #tpu.memory_space<semaphore_mem>>) src(%dma_wait3A_226 : memref<10000x128xf32, #tpu.memory_space<hbm>>) dst(%dma_wait3A_220 : memref<64x128xf32, #tpu.memory_space<vmem>>)
      %dma_start3A_227 = arith.constant 1 : i32
      %dma_start3A_228 = arith.constant 0 : i32
      %dma_start3A_229 = tpu.memref_slice %arg5[%add3A_143, %dma_start3A_227, %dma_start3A_228] : memref<27x2x128xi32, #tpu.memory_space<vmem>> -> memref<1x1x128xi32, #tpu.memory_space<vmem>>
      %dma_start3A_230 = tpu.memref_squeeze %dma_start3A_229 : memref<1x1x128xi32, #tpu.memory_space<vmem>> -> memref<128xi32, #tpu.memory_space<vmem>>
      %dma_start3A_231 = arith.constant 0 : i32
      %dma_start3A_232 = arith.constant 0 : i32
      %dma_start3A_233 = tpu.memref_slice %arg8[%dma_start3A_231, %dma_start3A_232] : memref<10240x128xf32, #tpu.memory_space<vmem_shared>> -> memref<10240x128xf32, #tpu.memory_space<vmem_shared>>
      tpu.enqueue_indirect_dma source(%arg7 : memref<128x128xf32, #tpu.memory_space<vmem>>) target(%dma_start3A_233 : memref<10240x128xf32, #tpu.memory_space<vmem_shared>>) offsets(%dma_start3A_230 : memref<128xi32, #tpu.memory_space<vmem>>) semaphore(%arg12 : memref<!tpu.dma_semaphore, #tpu.memory_space<semaphore_mem>>) {add = true}
      %scan3A_234 = arith.constant 0 : i32
      scf.yield %scan3A_234 : i32
    }
    %scan3A_123 = arith.constant 13 : i32
    %dma_wait3A_124 = arith.constant 25 : i32
    %dma_wait3A_125 = arith.constant 1 : i32
    %dma_wait3A_126 = arith.constant 0 : i32
    %dma_wait3A_127 = tpu.memref_slice %arg5[%dma_wait3A_124, %dma_wait3A_125, %dma_wait3A_126] : memref<27x2x128xi32, #tpu.memory_space<vmem>> -> memref<1x1x128xi32, #tpu.memory_space<vmem>>
    %dma_wait3A_128 = tpu.memref_squeeze %dma_wait3A_127 : memref<1x1x128xi32, #tpu.memory_space<vmem>> -> memref<128xi32, #tpu.memory_space<vmem>>
    %dma_wait3A_129 = arith.constant 0 : i32
    %dma_wait3A_130 = arith.constant 0 : i32
    %dma_wait3A_131 = tpu.memref_slice %arg8[%dma_wait3A_129, %dma_wait3A_130] : memref<10240x128xf32, #tpu.memory_space<vmem_shared>> -> memref<10240x128xf32, #tpu.memory_space<vmem_shared>>
    tpu.wait_indirect_dma semaphore(%arg12 : memref<!tpu.dma_semaphore, #tpu.memory_space<semaphore_mem>>) src(%arg7 : memref<128x128xf32, #tpu.memory_space<vmem>>) dst(%dma_wait3A_131 : memref<10240x128xf32, #tpu.memory_space<vmem_shared>>)
    %convert_element_type3A = arith.extui %lt3A_3 : i1 to i32
    %cond3A = arith.constant 0 : i32
    %cond3A_132 = arith.cmpi ne, %convert_element_type3A, %cond3A : i32
    scf.if %cond3A_132 {
      %add3A_138 = arith.constant 2496 : i32
      %add3A_139 = arith.addi %add3A_138, %add3A : i32
      "tpu.region"() ({
        %run_scoped3A = tpu.sem_alloc : memref<!tpu.dma_semaphore, #tpu.memory_space<semaphore_mem>>
        %dma_start3A_200 = arith.constant 26 : i32
        %dma_start3A_201 = arith.constant 0 : i32
        %dma_start3A_202 = arith.constant 0 : i32
        %dma_start3A_203 = tpu.memref_slice %arg5[%dma_start3A_200, %dma_start3A_201, %dma_start3A_202] : memref<27x2x128xi32, #tpu.memory_space<vmem>> -> memref<1x2x128xi32, #tpu.memory_space<vmem>>
        %dma_start3A_204 = arith.constant 0 : i32
        %dma_start3A_205 = arith.constant 0 : i32
        %dma_start3A_206 = tpu.memref_slice %arg3[%add3A_139, %dma_start3A_204, %dma_start3A_205] : memref<2500x2x128xi32, #tpu.memory_space<hbm>> -> memref<1x2x128xi32, #tpu.memory_space<hbm>>
        %dma_start3A_207 = arith.constant 26 : i32
        %dma_start3A_208 = arith.constant 0 : i32
        %dma_start3A_209 = arith.constant 0 : i32
        %dma_start3A_210 = tpu.memref_slice %arg5[%dma_start3A_207, %dma_start3A_208, %dma_start3A_209] : memref<27x2x128xi32, #tpu.memory_space<vmem>> -> memref<1x2x128xi32, #tpu.memory_space<vmem>>
        %dma_start3A_211 = arith.constant 0 : i32
        %dma_start3A_212 = arith.constant 0 : i32
        %dma_start3A_213 = tpu.memref_slice %arg3[%add3A_139, %dma_start3A_211, %dma_start3A_212] : memref<2500x2x128xi32, #tpu.memory_space<hbm>> -> memref<1x2x128xi32, #tpu.memory_space<hbm>>
        tpu.enqueue_dma source(%dma_start3A_213 : memref<1x2x128xi32, #tpu.memory_space<hbm>>) target(%dma_start3A_210 : memref<1x2x128xi32, #tpu.memory_space<vmem>>) target_semaphore(%run_scoped3A : memref<!tpu.dma_semaphore, #tpu.memory_space<semaphore_mem>>)
        %dma_wait3A_214 = arith.constant 26 : i32
        %dma_wait3A_215 = arith.constant 0 : i32
        %dma_wait3A_216 = arith.constant 0 : i32
        %dma_wait3A_217 = tpu.memref_slice %arg5[%dma_wait3A_214, %dma_wait3A_215, %dma_wait3A_216] : memref<27x2x128xi32, #tpu.memory_space<vmem>> -> memref<1x2x128xi32, #tpu.memory_space<vmem>>
        %dma_wait3A_218 = arith.constant 0 : i32
        %dma_wait3A_219 = arith.constant 0 : i32
        %dma_wait3A_220 = tpu.memref_slice %arg3[%add3A_139, %dma_wait3A_218, %dma_wait3A_219] : memref<2500x2x128xi32, #tpu.memory_space<hbm>> -> memref<1x2x128xi32, #tpu.memory_space<hbm>>
        %dma_wait3A_221 = arith.constant 26 : i32
        %dma_wait3A_222 = arith.constant 0 : i32
        %dma_wait3A_223 = arith.constant 0 : i32
        %dma_wait3A_224 = tpu.memref_slice %arg5[%dma_wait3A_221, %dma_wait3A_222, %dma_wait3A_223] : memref<27x2x128xi32, #tpu.memory_space<vmem>> -> memref<1x2x128xi32, #tpu.memory_space<vmem>>
        %dma_wait3A_225 = arith.constant 0 : i32
        %dma_wait3A_226 = arith.constant 0 : i32
        %dma_wait3A_227 = tpu.memref_slice %arg3[%add3A_139, %dma_wait3A_225, %dma_wait3A_226] : memref<2500x2x128xi32, #tpu.memory_space<hbm>> -> memref<1x2x128xi32, #tpu.memory_space<hbm>>
        tpu.wait_dma2 semaphore(%run_scoped3A : memref<!tpu.dma_semaphore, #tpu.memory_space<semaphore_mem>>) src(%dma_wait3A_227 : memref<1x2x128xi32, #tpu.memory_space<hbm>>) dst(%dma_wait3A_224 : memref<1x2x128xi32, #tpu.memory_space<vmem>>)
        tpu.yield
      }) : () -> ()
      %dma_start3A_140 = arith.constant 26 : i32
      %dma_start3A_141 = arith.constant 0 : i32
      %dma_start3A_142 = arith.constant 0 : i32
      %dma_start3A_143 = arith.constant 0 : i32
      %dma_start3A_144 = tpu.memref_slice %arg6[%dma_start3A_142, %dma_start3A_143] : memref<128x128xf32, #tpu.memory_space<vmem>> -> memref<64x128xf32, #tpu.memory_space<vmem>>
      %dma_start3A_145 = arith.constant 0 : i32
      %dma_start3A_146 = tpu.memref_slice %arg5[%dma_start3A_140, %dma_start3A_141, %dma_start3A_145] : memref<27x2x128xi32, #tpu.memory_space<vmem>> -> memref<1x1x64xi32, #tpu.memory_space<vmem>>
      %dma_start3A_147 = tpu.memref_squeeze %dma_start3A_146 : memref<1x1x64xi32, #tpu.memory_space<vmem>> -> memref<64xi32, #tpu.memory_space<vmem>>
      %dma_start3A_148 = arith.constant 0 : i32
      %dma_start3A_149 = arith.constant 0 : i32
      %dma_start3A_150 = tpu.memref_slice %arg2[%dma_start3A_148, %dma_start3A_149] : memref<10000x128xf32, #tpu.memory_space<hbm>> -> memref<10000x128xf32, #tpu.memory_space<hbm>>
      tpu.enqueue_indirect_dma source(%dma_start3A_150 : memref<10000x128xf32, #tpu.memory_space<hbm>>) target(%dma_start3A_144 : memref<64x128xf32, #tpu.memory_space<vmem>>) offsets(%dma_start3A_147 : memref<64xi32, #tpu.memory_space<vmem>>) semaphore(%arg9 : memref<!tpu.dma_semaphore, #tpu.memory_space<semaphore_mem>>)
      %dma_start3A_151 = arith.constant 26 : i32
      %dma_start3A_152 = arith.constant 0 : i32
      %dma_start3A_153 = arith.constant 64 : i32
      %dma_start3A_154 = arith.constant 0 : i32
      %dma_start3A_155 = tpu.memref_slice %arg6[%dma_start3A_153, %dma_start3A_154] : memref<128x128xf32, #tpu.memory_space<vmem>> -> memref<64x128xf32, #tpu.memory_space<vmem>>
      %dma_start3A_156 = arith.constant 64 : i32
      %dma_start3A_157 = tpu.memref_slice %arg5[%dma_start3A_151, %dma_start3A_152, %dma_start3A_156] : memref<27x2x128xi32, #tpu.memory_space<vmem>> -> memref<1x1x64xi32, #tpu.memory_space<vmem>>
      %dma_start3A_158 = tpu.memref_squeeze %dma_start3A_157 : memref<1x1x64xi32, #tpu.memory_space<vmem>> -> memref<64xi32, #tpu.memory_space<vmem>>
      %dma_start3A_159 = arith.constant 0 : i32
      %dma_start3A_160 = arith.constant 0 : i32
      %dma_start3A_161 = tpu.memref_slice %arg2[%dma_start3A_159, %dma_start3A_160] : memref<10000x128xf32, #tpu.memory_space<hbm>> -> memref<10000x128xf32, #tpu.memory_space<hbm>>
      tpu.enqueue_indirect_dma source(%dma_start3A_161 : memref<10000x128xf32, #tpu.memory_space<hbm>>) target(%dma_start3A_155 : memref<64x128xf32, #tpu.memory_space<vmem>>) offsets(%dma_start3A_158 : memref<64xi32, #tpu.memory_space<vmem>>) semaphore(%arg9 : memref<!tpu.dma_semaphore, #tpu.memory_space<semaphore_mem>>)
      %dma_wait3A_162 = arith.constant 26 : i32
      %dma_wait3A_163 = arith.constant 0 : i32
      %dma_wait3A_164 = arith.constant 0 : i32
      %dma_wait3A_165 = arith.constant 0 : i32
      %dma_wait3A_166 = tpu.memref_slice %arg6[%dma_wait3A_164, %dma_wait3A_165] : memref<128x128xf32, #tpu.memory_space<vmem>> -> memref<64x128xf32, #tpu.memory_space<vmem>>
      %dma_wait3A_167 = arith.constant 0 : i32
      %dma_wait3A_168 = tpu.memref_slice %arg5[%dma_wait3A_162, %dma_wait3A_163, %dma_wait3A_167] : memref<27x2x128xi32, #tpu.memory_space<vmem>> -> memref<1x1x64xi32, #tpu.memory_space<vmem>>
      %dma_wait3A_169 = tpu.memref_squeeze %dma_wait3A_168 : memref<1x1x64xi32, #tpu.memory_space<vmem>> -> memref<64xi32, #tpu.memory_space<vmem>>
      %dma_wait3A_170 = arith.constant 0 : i32
      %dma_wait3A_171 = arith.constant 0 : i32
      %dma_wait3A_172 = tpu.memref_slice %arg2[%dma_wait3A_170, %dma_wait3A_171] : memref<10000x128xf32, #tpu.memory_space<hbm>> -> memref<10000x128xf32, #tpu.memory_space<hbm>>
      tpu.wait_indirect_dma semaphore(%arg9 : memref<!tpu.dma_semaphore, #tpu.memory_space<semaphore_mem>>) src(%dma_wait3A_172 : memref<10000x128xf32, #tpu.memory_space<hbm>>) dst(%dma_wait3A_166 : memref<64x128xf32, #tpu.memory_space<vmem>>)
      %dma_wait3A_173 = arith.constant 26 : i32
      %dma_wait3A_174 = arith.constant 0 : i32
      %dma_wait3A_175 = arith.constant 64 : i32
      %dma_wait3A_176 = arith.constant 0 : i32
      %dma_wait3A_177 = tpu.memref_slice %arg6[%dma_wait3A_175, %dma_wait3A_176] : memref<128x128xf32, #tpu.memory_space<vmem>> -> memref<64x128xf32, #tpu.memory_space<vmem>>
      %dma_wait3A_178 = arith.constant 64 : i32
      %dma_wait3A_179 = tpu.memref_slice %arg5[%dma_wait3A_173, %dma_wait3A_174, %dma_wait3A_178] : memref<27x2x128xi32, #tpu.memory_space<vmem>> -> memref<1x1x64xi32, #tpu.memory_space<vmem>>
      %dma_wait3A_180 = tpu.memref_squeeze %dma_wait3A_179 : memref<1x1x64xi32, #tpu.memory_space<vmem>> -> memref<64xi32, #tpu.memory_space<vmem>>
      %dma_wait3A_181 = arith.constant 0 : i32
      %dma_wait3A_182 = arith.constant 0 : i32
      %dma_wait3A_183 = tpu.memref_slice %arg2[%dma_wait3A_181, %dma_wait3A_182] : memref<10000x128xf32, #tpu.memory_space<hbm>> -> memref<10000x128xf32, #tpu.memory_space<hbm>>
      tpu.wait_indirect_dma semaphore(%arg9 : memref<!tpu.dma_semaphore, #tpu.memory_space<semaphore_mem>>) src(%dma_wait3A_183 : memref<10000x128xf32, #tpu.memory_space<hbm>>) dst(%dma_wait3A_177 : memref<64x128xf32, #tpu.memory_space<vmem>>)
      %dma_start3A_184 = arith.constant 26 : i32
      %dma_start3A_185 = arith.constant 1 : i32
      %dma_start3A_186 = arith.constant 0 : i32
      %dma_start3A_187 = tpu.memref_slice %arg5[%dma_start3A_184, %dma_start3A_185, %dma_start3A_186] : memref<27x2x128xi32, #tpu.memory_space<vmem>> -> memref<1x1x128xi32, #tpu.memory_space<vmem>>
      %dma_start3A_188 = tpu.memref_squeeze %dma_start3A_187 : memref<1x1x128xi32, #tpu.memory_space<vmem>> -> memref<128xi32, #tpu.memory_space<vmem>>
      %dma_start3A_189 = arith.constant 0 : i32
      %dma_start3A_190 = arith.constant 0 : i32
      %dma_start3A_191 = tpu.memref_slice %arg8[%dma_start3A_189, %dma_start3A_190] : memref<10240x128xf32, #tpu.memory_space<vmem_shared>> -> memref<10240x128xf32, #tpu.memory_space<vmem_shared>>
      tpu.enqueue_indirect_dma source(%arg6 : memref<128x128xf32, #tpu.memory_space<vmem>>) target(%dma_start3A_191 : memref<10240x128xf32, #tpu.memory_space<vmem_shared>>) offsets(%dma_start3A_188 : memref<128xi32, #tpu.memory_space<vmem>>) semaphore(%arg11 : memref<!tpu.dma_semaphore, #tpu.memory_space<semaphore_mem>>) {add = true}
      %dma_wait3A_192 = arith.constant 26 : i32
      %dma_wait3A_193 = arith.constant 1 : i32
      %dma_wait3A_194 = arith.constant 0 : i32
      %dma_wait3A_195 = tpu.memref_slice %arg5[%dma_wait3A_192, %dma_wait3A_193, %dma_wait3A_194] : memref<27x2x128xi32, #tpu.memory_space<vmem>> -> memref<1x1x128xi32, #tpu.memory_space<vmem>>
      %dma_wait3A_196 = tpu.memref_squeeze %dma_wait3A_195 : memref<1x1x128xi32, #tpu.memory_space<vmem>> -> memref<128xi32, #tpu.memory_space<vmem>>
      %dma_wait3A_197 = arith.constant 0 : i32
      %dma_wait3A_198 = arith.constant 0 : i32
      %dma_wait3A_199 = tpu.memref_slice %arg8[%dma_wait3A_197, %dma_wait3A_198] : memref<10240x128xf32, #tpu.memory_space<vmem_shared>> -> memref<10240x128xf32, #tpu.memory_space<vmem_shared>>
      tpu.wait_indirect_dma semaphore(%arg11 : memref<!tpu.dma_semaphore, #tpu.memory_space<semaphore_mem>>) src(%arg6 : memref<128x128xf32, #tpu.memory_space<vmem>>) dst(%dma_wait3A_199 : memref<10240x128xf32, #tpu.memory_space<vmem_shared>>)
    } else {
    }
    %barrier3A_133 = arith.constant 0 : index
    tpu.barrier barrier_id(%barrier3A_133)
    %mul3A_134 = arith.constant 640 : i32
    %mul3A_135 = arith.muli %arg1, %mul3A_134 : i32
    %mul3A_136 = arith.constant 640 : i32
    %mul3A_137 = arith.muli %arg1, %mul3A_136 : i32
    "tpu.region"() ({
      %run_scoped3A = tpu.sem_alloc : memref<!tpu.dma_semaphore, #tpu.memory_space<semaphore_mem>>
      %dma_start3A_138 = arith.constant 0 : i32
      %dma_start3A_139 = tpu.memref_slice %arg4[%arg0, %mul3A_137, %dma_start3A_138] : memref<2x10240x128xf32, #tpu.memory_space<hbm>> -> memref<1x640x128xf32, #tpu.memory_space<hbm>>
      %dma_start3A_140 = tpu.memref_squeeze %dma_start3A_139 : memref<1x640x128xf32, #tpu.memory_space<hbm>> -> memref<640x128xf32, #tpu.memory_space<hbm>>
      %dma_start3A_141 = arith.constant 0 : i32
      %dma_start3A_142 = tpu.memref_slice %arg8[%mul3A_135, %dma_start3A_141] : memref<10240x128xf32, #tpu.memory_space<vmem_shared>> -> memref<640x128xf32, #tpu.memory_space<vmem_shared>>
      tpu.enqueue_dma source(%dma_start3A_142 : memref<640x128xf32, #tpu.memory_space<vmem_shared>>) target(%dma_start3A_140 : memref<640x128xf32, #tpu.memory_space<hbm>>) target_semaphore(%run_scoped3A : memref<!tpu.dma_semaphore, #tpu.memory_space<semaphore_mem>>)
      %dma_wait3A_143 = arith.constant 0 : i32
      %dma_wait3A_144 = tpu.memref_slice %arg4[%arg0, %mul3A_137, %dma_wait3A_143] : memref<2x10240x128xf32, #tpu.memory_space<hbm>> -> memref<1x640x128xf32, #tpu.memory_space<hbm>>
      %dma_wait3A_145 = tpu.memref_squeeze %dma_wait3A_144 : memref<1x640x128xf32, #tpu.memory_space<hbm>> -> memref<640x128xf32, #tpu.memory_space<hbm>>
      %dma_wait3A_146 = arith.constant 0 : i32
      %dma_wait3A_147 = tpu.memref_slice %arg8[%mul3A_135, %dma_wait3A_146] : memref<10240x128xf32, #tpu.memory_space<vmem_shared>> -> memref<640x128xf32, #tpu.memory_space<vmem_shared>>
      tpu.wait_dma2 semaphore(%run_scoped3A : memref<!tpu.dma_semaphore, #tpu.memory_space<semaphore_mem>>) src(%dma_wait3A_147 : memref<640x128xf32, #tpu.memory_space<vmem_shared>>) dst(%dma_wait3A_145 : memref<640x128xf32, #tpu.memory_space<hbm>>)
      tpu.yield
    }) : () -> ()
    return
  }
}

#map = affine_map<(d0, d1) -> (0, 0, 0)>
#map1 = affine_map<(d0, d1) -> (0, 0)>
module attributes {stable_mosaic.version = 14 : i64} {
  func.func @k(%arg0: i32, %arg1: i32, %arg2: memref<2500x2x128xi32, #tpu.memory_space<hbm>>, %arg3: memref<2x10240xf32, #tpu.memory_space<hbm>>, %arg4: memref<79x2x128xi32, #tpu.memory_space<vmem>>, %arg5: memref<128xf32, #tpu.memory_space<vmem>>, %arg6: memref<640xf32, #tpu.memory_space<vmem>>, %arg7: memref<10240xf32, #tpu.memory_space<vmem_shared>>, %arg8: memref<!tpu.dma_semaphore, #tpu.memory_space<semaphore_mem>>) attributes {dimension_semantics = [#tpu.dimension_semantics<core_parallel>, #tpu.dimension_semantics<subcore_parallel>], iteration_bounds = array<i64: 2, 16>, scalar_prefetch = 0 : i64, scratch_operands = 5 : i64, tpu.core_type = #tpu.core_type<sc_vector_subcore>, window_params = [{transform_indices = #map}, {transform_indices = #map1}]} {
    %mul3A = arith.constant 2 : i32
    %mul3A_0 = arith.muli %arg1, %mul3A : i32
    %add3A = arith.addi %mul3A_0, %arg0 : i32
    %mul3A_1 = arith.constant 78 : i32
    %mul3A_2 = arith.muli %add3A, %mul3A_1 : i32
    %lt3A = arith.constant 4 : i32
    %lt3A_3 = arith.cmpi slt, %add3A, %lt3A : i32
    %scan3A = arith.constant 0 : i32
    %scan3A_4 = arith.constant 0 : i32
    %scan3A_5 = arith.constant 40 : i32
    %scan3A_6 = arith.addi %scan3A_4, %scan3A_5 : i32
    %scan3A_7 = arith.constant 1 : i32
    %scan3A_8 = scf.for %scan3A_42 = %scan3A_4 to %scan3A_6 step %scan3A_7 iter_args(%scan3A_43 = %scan3A) -> (i32)  : i32 {
      %broadcast_in_dim3A = arith.constant 0.000000e+00 : f32
      %broadcast_in_dim3A_44 = vector.broadcast %broadcast_in_dim3A : f32 to vector<16xf32>
      %mul3A_45 = arith.constant 16 : i32
      %mul3A_46 = arith.muli %scan3A_42, %mul3A_45 : i32
      %swap3A = arith.index_cast %mul3A_46 : i32 to index
      %swap3A_47 = tpu.vector_load %arg6[%swap3A] {strides = array<i32>} : memref<640xf32, #tpu.memory_space<vmem>>, vector<16xf32>,
      %swap3A_48 = vector.shape_cast %swap3A_47 : vector<16xf32> to vector<16xf32>
      %swap3A_49 = vector.shape_cast %broadcast_in_dim3A_44 : vector<16xf32> to vector<16xf32>
      tpu.vector_store %arg6[%swap3A], %swap3A_49 {strides = array<i32>} : memref<640xf32, #tpu.memory_space<vmem>>, vector<16xf32>,
      %scan3A_50 = arith.constant 0 : i32
      scf.yield %scan3A_50 : i32
    }
    %scan3A_9 = arith.constant 40 : i32
    %scan3A_10 = arith.constant 0 : i32
    %scan3A_11 = arith.constant 0 : i32
    %scan3A_12 = arith.constant 8 : i32
    %scan3A_13 = arith.addi %scan3A_11, %scan3A_12 : i32
    %scan3A_14 = arith.constant 1 : i32
    %scan3A_15 = scf.for %scan3A_42 = %scan3A_11 to %scan3A_13 step %scan3A_14 iter_args(%scan3A_43 = %scan3A_10) -> (i32)  : i32 {
      %broadcast_in_dim3A = arith.constant 1.000000e+00 : f32
      %broadcast_in_dim3A_44 = vector.broadcast %broadcast_in_dim3A : f32 to vector<16xf32>
      %mul3A_45 = arith.constant 16 : i32
      %mul3A_46 = arith.muli %scan3A_42, %mul3A_45 : i32
      %swap3A = arith.index_cast %mul3A_46 : i32 to index
      %swap3A_47 = tpu.vector_load %arg5[%swap3A] {strides = array<i32>} : memref<128xf32, #tpu.memory_space<vmem>>, vector<16xf32>,
      %swap3A_48 = vector.shape_cast %swap3A_47 : vector<16xf32> to vector<16xf32>
      %swap3A_49 = vector.shape_cast %broadcast_in_dim3A_44 : vector<16xf32> to vector<16xf32>
      tpu.vector_store %arg5[%swap3A], %swap3A_49 {strides = array<i32>} : memref<128xf32, #tpu.memory_space<vmem>>, vector<16xf32>,
      %scan3A_50 = arith.constant 0 : i32
      scf.yield %scan3A_50 : i32
    }
    %scan3A_16 = arith.constant 8 : i32
    %mul3A_17 = arith.constant 640 : i32
    %mul3A_18 = arith.muli %arg1, %mul3A_17 : i32
    "tpu.region"() ({
      %run_scoped3A = tpu.sem_alloc : memref<!tpu.dma_semaphore, #tpu.memory_space<semaphore_mem>>
      %dma_start3A = tpu.memref_slice %arg7[%mul3A_18] : memref<10240xf32, #tpu.memory_space<vmem_shared>> -> memref<640xf32, #tpu.memory_space<vmem_shared>>
      %dma_start3A_42 = tpu.memref_slice %arg7[%mul3A_18] : memref<10240xf32, #tpu.memory_space<vmem_shared>> -> memref<640xf32, #tpu.memory_space<vmem_shared>>
      tpu.enqueue_dma source(%arg6 : memref<640xf32, #tpu.memory_space<vmem>>) target(%dma_start3A_42 : memref<640xf32, #tpu.memory_space<vmem_shared>>) target_semaphore(%run_scoped3A : memref<!tpu.dma_semaphore, #tpu.memory_space<semaphore_mem>>)
      %dma_wait3A = tpu.memref_slice %arg7[%mul3A_18] : memref<10240xf32, #tpu.memory_space<vmem_shared>> -> memref<640xf32, #tpu.memory_space<vmem_shared>>
      %dma_wait3A_43 = tpu.memref_slice %arg7[%mul3A_18] : memref<10240xf32, #tpu.memory_space<vmem_shared>> -> memref<640xf32, #tpu.memory_space<vmem_shared>>
      tpu.wait_dma2 semaphore(%run_scoped3A : memref<!tpu.dma_semaphore, #tpu.memory_space<semaphore_mem>>) src(%arg6 : memref<640xf32, #tpu.memory_space<vmem>>) dst(%dma_wait3A_43 : memref<640xf32, #tpu.memory_space<vmem_shared>>)
      tpu.yield
    }) : () -> ()
    %barrier3A = arith.constant 0 : index
    tpu.barrier barrier_id(%barrier3A)
    "tpu.region"() ({
      %run_scoped3A = tpu.sem_alloc : memref<!tpu.dma_semaphore, #tpu.memory_space<semaphore_mem>>
      %dma_start3A = arith.constant 0 : i32
      %dma_start3A_42 = arith.constant 0 : i32
      %dma_start3A_43 = arith.constant 0 : i32
      %dma_start3A_44 = tpu.memref_slice %arg4[%dma_start3A, %dma_start3A_42, %dma_start3A_43] : memref<79x2x128xi32, #tpu.memory_space<vmem>> -> memref<78x2x128xi32, #tpu.memory_space<vmem>>
      %dma_start3A_45 = arith.constant 0 : i32
      %dma_start3A_46 = arith.constant 0 : i32
      %dma_start3A_47 = tpu.memref_slice %arg2[%mul3A_2, %dma_start3A_45, %dma_start3A_46] : memref<2500x2x128xi32, #tpu.memory_space<hbm>> -> memref<78x2x128xi32, #tpu.memory_space<hbm>>
      %dma_start3A_48 = arith.constant 0 : i32
      %dma_start3A_49 = arith.constant 0 : i32
      %dma_start3A_50 = arith.constant 0 : i32
      %dma_start3A_51 = tpu.memref_slice %arg4[%dma_start3A_48, %dma_start3A_49, %dma_start3A_50] : memref<79x2x128xi32, #tpu.memory_space<vmem>> -> memref<78x2x128xi32, #tpu.memory_space<vmem>>
      %dma_start3A_52 = arith.constant 0 : i32
      %dma_start3A_53 = arith.constant 0 : i32
      %dma_start3A_54 = tpu.memref_slice %arg2[%mul3A_2, %dma_start3A_52, %dma_start3A_53] : memref<2500x2x128xi32, #tpu.memory_space<hbm>> -> memref<78x2x128xi32, #tpu.memory_space<hbm>>
      tpu.enqueue_dma source(%dma_start3A_54 : memref<78x2x128xi32, #tpu.memory_space<hbm>>) target(%dma_start3A_51 : memref<78x2x128xi32, #tpu.memory_space<vmem>>) target_semaphore(%run_scoped3A : memref<!tpu.dma_semaphore, #tpu.memory_space<semaphore_mem>>)
      %dma_wait3A = arith.constant 0 : i32
      %dma_wait3A_55 = arith.constant 0 : i32
      %dma_wait3A_56 = arith.constant 0 : i32
      %dma_wait3A_57 = tpu.memref_slice %arg4[%dma_wait3A, %dma_wait3A_55, %dma_wait3A_56] : memref<79x2x128xi32, #tpu.memory_space<vmem>> -> memref<78x2x128xi32, #tpu.memory_space<vmem>>
      %dma_wait3A_58 = arith.constant 0 : i32
      %dma_wait3A_59 = arith.constant 0 : i32
      %dma_wait3A_60 = tpu.memref_slice %arg2[%mul3A_2, %dma_wait3A_58, %dma_wait3A_59] : memref<2500x2x128xi32, #tpu.memory_space<hbm>> -> memref<78x2x128xi32, #tpu.memory_space<hbm>>
      %dma_wait3A_61 = arith.constant 0 : i32
      %dma_wait3A_62 = arith.constant 0 : i32
      %dma_wait3A_63 = arith.constant 0 : i32
      %dma_wait3A_64 = tpu.memref_slice %arg4[%dma_wait3A_61, %dma_wait3A_62, %dma_wait3A_63] : memref<79x2x128xi32, #tpu.memory_space<vmem>> -> memref<78x2x128xi32, #tpu.memory_space<vmem>>
      %dma_wait3A_65 = arith.constant 0 : i32
      %dma_wait3A_66 = arith.constant 0 : i32
      %dma_wait3A_67 = tpu.memref_slice %arg2[%mul3A_2, %dma_wait3A_65, %dma_wait3A_66] : memref<2500x2x128xi32, #tpu.memory_space<hbm>> -> memref<78x2x128xi32, #tpu.memory_space<hbm>>
      tpu.wait_dma2 semaphore(%run_scoped3A : memref<!tpu.dma_semaphore, #tpu.memory_space<semaphore_mem>>) src(%dma_wait3A_67 : memref<78x2x128xi32, #tpu.memory_space<hbm>>) dst(%dma_wait3A_64 : memref<78x2x128xi32, #tpu.memory_space<vmem>>)
      tpu.yield
    }) : () -> ()
    %convert_element_type3A = arith.extui %lt3A_3 : i1 to i32
    %cond3A = arith.constant 0 : i32
    %cond3A_19 = arith.cmpi ne, %convert_element_type3A, %cond3A : i32
    scf.if %cond3A_19 {
      %add3A_42 = arith.constant 2496 : i32
      %add3A_43 = arith.addi %add3A_42, %add3A : i32
      "tpu.region"() ({
        %run_scoped3A = tpu.sem_alloc : memref<!tpu.dma_semaphore, #tpu.memory_space<semaphore_mem>>
        %dma_start3A = arith.constant 78 : i32
        %dma_start3A_44 = arith.constant 0 : i32
        %dma_start3A_45 = arith.constant 0 : i32
        %dma_start3A_46 = tpu.memref_slice %arg4[%dma_start3A, %dma_start3A_44, %dma_start3A_45] : memref<79x2x128xi32, #tpu.memory_space<vmem>> -> memref<1x2x128xi32, #tpu.memory_space<vmem>>
        %dma_start3A_47 = arith.constant 0 : i32
        %dma_start3A_48 = arith.constant 0 : i32
        %dma_start3A_49 = tpu.memref_slice %arg2[%add3A_43, %dma_start3A_47, %dma_start3A_48] : memref<2500x2x128xi32, #tpu.memory_space<hbm>> -> memref<1x2x128xi32, #tpu.memory_space<hbm>>
        %dma_start3A_50 = arith.constant 78 : i32
        %dma_start3A_51 = arith.constant 0 : i32
        %dma_start3A_52 = arith.constant 0 : i32
        %dma_start3A_53 = tpu.memref_slice %arg4[%dma_start3A_50, %dma_start3A_51, %dma_start3A_52] : memref<79x2x128xi32, #tpu.memory_space<vmem>> -> memref<1x2x128xi32, #tpu.memory_space<vmem>>
        %dma_start3A_54 = arith.constant 0 : i32
        %dma_start3A_55 = arith.constant 0 : i32
        %dma_start3A_56 = tpu.memref_slice %arg2[%add3A_43, %dma_start3A_54, %dma_start3A_55] : memref<2500x2x128xi32, #tpu.memory_space<hbm>> -> memref<1x2x128xi32, #tpu.memory_space<hbm>>
        tpu.enqueue_dma source(%dma_start3A_56 : memref<1x2x128xi32, #tpu.memory_space<hbm>>) target(%dma_start3A_53 : memref<1x2x128xi32, #tpu.memory_space<vmem>>) target_semaphore(%run_scoped3A : memref<!tpu.dma_semaphore, #tpu.memory_space<semaphore_mem>>)
        %dma_wait3A = arith.constant 78 : i32
        %dma_wait3A_57 = arith.constant 0 : i32
        %dma_wait3A_58 = arith.constant 0 : i32
        %dma_wait3A_59 = tpu.memref_slice %arg4[%dma_wait3A, %dma_wait3A_57, %dma_wait3A_58] : memref<79x2x128xi32, #tpu.memory_space<vmem>> -> memref<1x2x128xi32, #tpu.memory_space<vmem>>
        %dma_wait3A_60 = arith.constant 0 : i32
        %dma_wait3A_61 = arith.constant 0 : i32
        %dma_wait3A_62 = tpu.memref_slice %arg2[%add3A_43, %dma_wait3A_60, %dma_wait3A_61] : memref<2500x2x128xi32, #tpu.memory_space<hbm>> -> memref<1x2x128xi32, #tpu.memory_space<hbm>>
        %dma_wait3A_63 = arith.constant 78 : i32
        %dma_wait3A_64 = arith.constant 0 : i32
        %dma_wait3A_65 = arith.constant 0 : i32
        %dma_wait3A_66 = tpu.memref_slice %arg4[%dma_wait3A_63, %dma_wait3A_64, %dma_wait3A_65] : memref<79x2x128xi32, #tpu.memory_space<vmem>> -> memref<1x2x128xi32, #tpu.memory_space<vmem>>
        %dma_wait3A_67 = arith.constant 0 : i32
        %dma_wait3A_68 = arith.constant 0 : i32
        %dma_wait3A_69 = tpu.memref_slice %arg2[%add3A_43, %dma_wait3A_67, %dma_wait3A_68] : memref<2500x2x128xi32, #tpu.memory_space<hbm>> -> memref<1x2x128xi32, #tpu.memory_space<hbm>>
        tpu.wait_dma2 semaphore(%run_scoped3A : memref<!tpu.dma_semaphore, #tpu.memory_space<semaphore_mem>>) src(%dma_wait3A_69 : memref<1x2x128xi32, #tpu.memory_space<hbm>>) dst(%dma_wait3A_66 : memref<1x2x128xi32, #tpu.memory_space<vmem>>)
        tpu.yield
      }) : () -> ()
    } else {
    }
    %scan3A_20 = arith.constant 0 : i32
    %scan3A_21 = arith.constant 0 : i32
    %scan3A_22 = arith.constant 78 : i32
    %scan3A_23 = arith.addi %scan3A_21, %scan3A_22 : i32
    %scan3A_24 = arith.constant 1 : i32
    %scan3A_25 = scf.for %scan3A_42 = %scan3A_21 to %scan3A_23 step %scan3A_24 iter_args(%scan3A_43 = %scan3A_20) -> (i32)  : i32 {
      %dma_start3A = arith.constant 1 : i32
      %dma_start3A_44 = arith.constant 0 : i32
      %dma_start3A_45 = tpu.memref_slice %arg4[%scan3A_42, %dma_start3A, %dma_start3A_44] : memref<79x2x128xi32, #tpu.memory_space<vmem>> -> memref<1x1x128xi32, #tpu.memory_space<vmem>>
      %dma_start3A_46 = tpu.memref_squeeze %dma_start3A_45 : memref<1x1x128xi32, #tpu.memory_space<vmem>> -> memref<128xi32, #tpu.memory_space<vmem>>
      %dma_start3A_47 = arith.constant 0 : i32
      %dma_start3A_48 = tpu.memref_slice %arg7[%dma_start3A_47] : memref<10240xf32, #tpu.memory_space<vmem_shared>> -> memref<10240xf32, #tpu.memory_space<vmem_shared>>
      tpu.enqueue_indirect_dma source(%arg5 : memref<128xf32, #tpu.memory_space<vmem>>) target(%dma_start3A_48 : memref<10240xf32, #tpu.memory_space<vmem_shared>>) offsets(%dma_start3A_46 : memref<128xi32, #tpu.memory_space<vmem>>) semaphore(%arg8 : memref<!tpu.dma_semaphore, #tpu.memory_space<semaphore_mem>>) {add = true}
      %scan3A_49 = arith.constant 0 : i32
      scf.yield %scan3A_49 : i32
    }
    %scan3A_26 = arith.constant 78 : i32
    %convert_element_type3A_27 = arith.extui %lt3A_3 : i1 to i32
    %cond3A_28 = arith.constant 0 : i32
    %cond3A_29 = arith.cmpi ne, %convert_element_type3A_27, %cond3A_28 : i32
    scf.if %cond3A_29 {
      %scan3A_42 = arith.constant 0 : i32
      %scan3A_43 = arith.constant 78 : i32
      %dma_start3A = arith.constant 1 : i32
      %dma_start3A_44 = arith.constant 0 : i32
      %dma_start3A_45 = tpu.memref_slice %arg4[%scan3A_43, %dma_start3A, %dma_start3A_44] : memref<79x2x128xi32, #tpu.memory_space<vmem>> -> memref<1x1x128xi32, #tpu.memory_space<vmem>>
      %dma_start3A_46 = tpu.memref_squeeze %dma_start3A_45 : memref<1x1x128xi32, #tpu.memory_space<vmem>> -> memref<128xi32, #tpu.memory_space<vmem>>
      %dma_start3A_47 = arith.constant 0 : i32
      %dma_start3A_48 = tpu.memref_slice %arg7[%dma_start3A_47] : memref<10240xf32, #tpu.memory_space<vmem_shared>> -> memref<10240xf32, #tpu.memory_space<vmem_shared>>
      tpu.enqueue_indirect_dma source(%arg5 : memref<128xf32, #tpu.memory_space<vmem>>) target(%dma_start3A_48 : memref<10240xf32, #tpu.memory_space<vmem_shared>>) offsets(%dma_start3A_46 : memref<128xi32, #tpu.memory_space<vmem>>) semaphore(%arg8 : memref<!tpu.dma_semaphore, #tpu.memory_space<semaphore_mem>>) {add = true}
      %scan3A_49 = arith.constant 0 : i32
      %scan3A_50 = arith.constant 1 : i32
      %scan3A_51 = arith.constant 0 : i32
      %scan3A_52 = arith.constant 0 : i32
      %dma_wait3A = arith.constant 0 : i32
      %dma_wait3A_53 = arith.constant 1 : i32
      %dma_wait3A_54 = arith.constant 0 : i32
      %dma_wait3A_55 = tpu.memref_slice %arg4[%dma_wait3A, %dma_wait3A_53, %dma_wait3A_54] : memref<79x2x128xi32, #tpu.memory_space<vmem>> -> memref<1x1x128xi32, #tpu.memory_space<vmem>>
      %dma_wait3A_56 = tpu.memref_squeeze %dma_wait3A_55 : memref<1x1x128xi32, #tpu.memory_space<vmem>> -> memref<128xi32, #tpu.memory_space<vmem>>
      %dma_wait3A_57 = arith.constant 0 : i32
      %dma_wait3A_58 = tpu.memref_slice %arg7[%dma_wait3A_57] : memref<10240xf32, #tpu.memory_space<vmem_shared>> -> memref<10240xf32, #tpu.memory_space<vmem_shared>>
      tpu.wait_indirect_dma semaphore(%arg8 : memref<!tpu.dma_semaphore, #tpu.memory_space<semaphore_mem>>) src(%arg5 : memref<128xf32, #tpu.memory_space<vmem>>) dst(%dma_wait3A_58 : memref<10240xf32, #tpu.memory_space<vmem_shared>>)
      %scan3A_59 = arith.constant 0 : i32
      %scan3A_60 = arith.constant 1 : i32
    } else {
    }
    %scan3A_30 = arith.constant 0 : i32
    %scan3A_31 = arith.constant 0 : i32
    %scan3A_32 = arith.constant 78 : i32
    %scan3A_33 = arith.addi %scan3A_31, %scan3A_32 : i32
    %scan3A_34 = arith.constant 1 : i32
    %scan3A_35 = scf.for %scan3A_42 = %scan3A_31 to %scan3A_33 step %scan3A_34 iter_args(%scan3A_43 = %scan3A_30) -> (i32)  : i32 {
      %dma_wait3A = arith.constant 0 : i32
      %dma_wait3A_44 = arith.constant 1 : i32
      %dma_wait3A_45 = arith.constant 0 : i32
      %dma_wait3A_46 = tpu.memref_slice %arg4[%dma_wait3A, %dma_wait3A_44, %dma_wait3A_45] : memref<79x2x128xi32, #tpu.memory_space<vmem>> -> memref<1x1x128xi32, #tpu.memory_space<vmem>>
      %dma_wait3A_47 = tpu.memref_squeeze %dma_wait3A_46 : memref<1x1x128xi32, #tpu.memory_space<vmem>> -> memref<128xi32, #tpu.memory_space<vmem>>
      %dma_wait3A_48 = arith.constant 0 : i32
      %dma_wait3A_49 = tpu.memref_slice %arg7[%dma_wait3A_48] : memref<10240xf32, #tpu.memory_space<vmem_shared>> -> memref<10240xf32, #tpu.memory_space<vmem_shared>>
      tpu.wait_indirect_dma semaphore(%arg8 : memref<!tpu.dma_semaphore, #tpu.memory_space<semaphore_mem>>) src(%arg5 : memref<128xf32, #tpu.memory_space<vmem>>) dst(%dma_wait3A_49 : memref<10240xf32, #tpu.memory_space<vmem_shared>>)
      %scan3A_50 = arith.constant 0 : i32
      scf.yield %scan3A_50 : i32
    }
    %scan3A_36 = arith.constant 78 : i32
    %barrier3A_37 = arith.constant 0 : index
    tpu.barrier barrier_id(%barrier3A_37)
    %mul3A_38 = arith.constant 640 : i32
    %mul3A_39 = arith.muli %arg1, %mul3A_38 : i32
    %mul3A_40 = arith.constant 640 : i32
    %mul3A_41 = arith.muli %arg1, %mul3A_40 : i32
    "tpu.region"() ({
      %run_scoped3A = tpu.sem_alloc : memref<!tpu.dma_semaphore, #tpu.memory_space<semaphore_mem>>
      %dma_start3A = tpu.memref_slice %arg3[%arg0, %mul3A_41] : memref<2x10240xf32, #tpu.memory_space<hbm>> -> memref<1x640xf32, #tpu.memory_space<hbm>>
      %dma_start3A_42 = tpu.memref_squeeze %dma_start3A : memref<1x640xf32, #tpu.memory_space<hbm>> -> memref<640xf32, #tpu.memory_space<hbm>>
      %dma_start3A_43 = tpu.memref_slice %arg7[%mul3A_39] : memref<10240xf32, #tpu.memory_space<vmem_shared>> -> memref<640xf32, #tpu.memory_space<vmem_shared>>
      tpu.enqueue_dma source(%dma_start3A_43 : memref<640xf32, #tpu.memory_space<vmem_shared>>) target(%dma_start3A_42 : memref<640xf32, #tpu.memory_space<hbm>>) target_semaphore(%run_scoped3A : memref<!tpu.dma_semaphore, #tpu.memory_space<semaphore_mem>>)
      %dma_wait3A = tpu.memref_slice %arg3[%arg0, %mul3A_41] : memref<2x10240xf32, #tpu.memory_space<hbm>> -> memref<1x640xf32, #tpu.memory_space<hbm>>
      %dma_wait3A_44 = tpu.memref_squeeze %dma_wait3A : memref<1x640xf32, #tpu.memory_space<hbm>> -> memref<640xf32, #tpu.memory_space<hbm>>
      %dma_wait3A_45 = tpu.memref_slice %arg7[%mul3A_39] : memref<10240xf32, #tpu.memory_space<vmem_shared>> -> memref<640xf32, #tpu.memory_space<vmem_shared>>
      tpu.wait_dma2 semaphore(%run_scoped3A : memref<!tpu.dma_semaphore, #tpu.memory_space<semaphore_mem>>) src(%dma_wait3A_45 : memref<640xf32, #tpu.memory_space<vmem_shared>>) dst(%dma_wait3A_44 : memref<640xf32, #tpu.memory_space<hbm>>)
      tpu.yield
    }) : () -> ()
    return
  }
}

module attributes {stable_mosaic.version = 14 : i64} {
  func.func @_hs_kernel(%arg0: i32, %arg1: memref<1000x128xf32, #tpu.memory_space<vmem>>, %arg2: memref<128x128xf32, #tpu.memory_space<vmem>>, %arg3: memref<1000x2xf32, #tpu.memory_space<vmem>>, %arg4: memref<1000x128xf32, #tpu.memory_space<vmem>>) attributes {dimension_semantics = [#tpu.dimension_semantics<arbitrary>], iteration_bounds = array<i64: 10>, scalar_prefetch = 0 : i64, scratch_operands = 0 : i64, tpu.core_type = #tpu.core_type<tc>, window_params = [{transform_indices = @transform_0, window_bounds = array<i64: 1000, 128>}, {pipeline_mode = #tpu.pipeline_mode<synchronous>, transform_indices = @transform_1, window_bounds = array<i64: 128, 128>}, {transform_indices = @transform_2, window_bounds = array<i64: 1000, 2>}, {transform_indices = @transform_3, window_bounds = array<i64: 1000, 128>}]} {
    %get3A = arith.constant 0 : index
    %get3A_0 = arith.constant 0 : index
    %get3A_1 = vector.load %arg3[%get3A, %get3A_0] : memref<1000x2xf32, #tpu.memory_space<vmem>>, vector<1000x2xf32>
    %slice3A = vector.extract_strided_slice %get3A_1 {offsets = [0, 0], sizes = [1000, 1], strides = [1, 1]} : vector<1000x2xf32> to vector<1000x1xf32>
    %slice3A_2 = vector.extract_strided_slice %get3A_1 {offsets = [0, 1], sizes = [1000, 1], strides = [1, 1]} : vector<1000x2xf32> to vector<1000x1xf32>
    %add3A = arith.addf %slice3A, %slice3A_2 : vector<1000x1xf32>
    %add3A_3 = arith.constant 1.000000e+00 : f32
    %add3A_4 = vector.broadcast %add3A_3 : f32 to vector<1000x1xf32>
    %add3A_5 = arith.addf %add3A, %add3A_4 : vector<1000x1xf32>
    %rsqrt3A = math.rsqrt %add3A_5 : vector<1000x1xf32>
    %get3A_6 = arith.constant 0 : index
    %get3A_7 = arith.constant 0 : index
    %get3A_8 = vector.load %arg1[%get3A_6, %get3A_7] : memref<1000x128xf32, #tpu.memory_space<vmem>>, vector<1000x128xf32>
    %get3A_9 = arith.constant 0 : index
    %get3A_10 = arith.constant 0 : index
    %get3A_11 = vector.load %arg2[%get3A_9, %get3A_10] : memref<128x128xf32, #tpu.memory_space<vmem>>, vector<128x128xf32>
    %dot_general3A = arith.constant dense<0.000000e+00> : vector<1000x128xf32>
    %dot_general3A_12 = tpu.matmul %get3A_8, %get3A_11, %dot_general3A {dimension_numbers = #tpu.dot_dimension_numbers<[1], [0], [0], [1], [0, 0, 1, 1], [], []>, transpose_lhs_hint = false} : vector<1000x128xf32>, vector<128x128xf32>, vector<1000x128xf32> -> vector<1000x128xf32>
    %mul3A = vector.broadcast %rsqrt3A : vector<1000x1xf32> to vector<1000x128xf32>
    %mul3A_13 = arith.mulf %dot_general3A_12, %mul3A : vector<1000x128xf32>
    %swap3A = arith.constant 0 : index
    %swap3A_14 = arith.constant 0 : index
    %swap3A_15 = vector.load %arg4[%swap3A, %swap3A_14] : memref<1000x128xf32, #tpu.memory_space<vmem>>, vector<1000x128xf32>
    tpu.vector_store %arg4[%swap3A, %swap3A_14], %mul3A_13 {strides = array<i32>} : memref<1000x128xf32, #tpu.memory_space<vmem>>, vector<1000x128xf32>,
    return
  }
  func.func @transform_0(%arg0: i32) -> (i32, i32) {
    %c0_i32 = arith.constant 0 : i32
    %c0_i32_0 = arith.constant 0 : i32
    return %arg0, %c0_i32 : i32, i32
  }
  func.func @transform_1(%arg0: i32) -> (i32, i32) {
    %c0_i32 = arith.constant 0 : i32
    %c0_i32_0 = arith.constant 0 : i32
    %c0_i32_1 = arith.constant 0 : i32
    return %c0_i32, %c0_i32_0 : i32, i32
  }
  func.func @transform_2(%arg0: i32) -> (i32, i32) {
    %c0_i32 = arith.constant 0 : i32
    %c0_i32_0 = arith.constant 0 : i32
    return %arg0, %c0_i32 : i32, i32
  }
  func.func @transform_3(%arg0: i32) -> (i32, i32) {
    %c0_i32 = arith.constant 0 : i32
    %c0_i32_0 = arith.constant 0 : i32
    return %arg0, %c0_i32 : i32, i32
  }
}

module attributes {stable_mosaic.version = 14 : i64} {
  func.func @_mm_bias_kernel(%arg0: i32, %arg1: memref<1000x128xf32, #tpu.memory_space<vmem>>, %arg2: memref<128x128xf32, #tpu.memory_space<vmem>>, %arg3: memref<1x128xf32, #tpu.memory_space<vmem>>, %arg4: memref<1000x128xf32, #tpu.memory_space<vmem>>) attributes {dimension_semantics = [#tpu.dimension_semantics<arbitrary>], iteration_bounds = array<i64: 10>, scalar_prefetch = 0 : i64, scratch_operands = 0 : i64, tpu.core_type = #tpu.core_type<tc>, window_params = [{transform_indices = @transform_0, window_bounds = array<i64: 1000, 128>}, {pipeline_mode = #tpu.pipeline_mode<synchronous>, transform_indices = @transform_1, window_bounds = array<i64: 128, 128>}, {pipeline_mode = #tpu.pipeline_mode<synchronous>, transform_indices = @transform_2, window_bounds = array<i64: 1, 128>}, {transform_indices = @transform_3, window_bounds = array<i64: 1000, 128>}]} {
    %get3A = arith.constant 0 : index
    %get3A_0 = arith.constant 0 : index
    %get3A_1 = vector.load %arg1[%get3A, %get3A_0] : memref<1000x128xf32, #tpu.memory_space<vmem>>, vector<1000x128xf32>
    %get3A_2 = arith.constant 0 : index
    %get3A_3 = arith.constant 0 : index
    %get3A_4 = vector.load %arg2[%get3A_2, %get3A_3] : memref<128x128xf32, #tpu.memory_space<vmem>>, vector<128x128xf32>
    %dot_general3A = arith.constant dense<0.000000e+00> : vector<1000x128xf32>
    %dot_general3A_5 = tpu.matmul %get3A_1, %get3A_4, %dot_general3A {dimension_numbers = #tpu.dot_dimension_numbers<[1], [0], [0], [1], [0, 0, 1, 1], [], []>, transpose_lhs_hint = false} : vector<1000x128xf32>, vector<128x128xf32>, vector<1000x128xf32> -> vector<1000x128xf32>
    %get3A_6 = arith.constant 0 : index
    %get3A_7 = arith.constant 0 : index
    %get3A_8 = vector.load %arg3[%get3A_6, %get3A_7] : memref<1x128xf32, #tpu.memory_space<vmem>>, vector<1x128xf32>
    %add3A = vector.broadcast %get3A_8 : vector<1x128xf32> to vector<1000x128xf32>
    %add3A_9 = arith.addf %dot_general3A_5, %add3A : vector<1000x128xf32>
    %swap3A = arith.constant 0 : index
    %swap3A_10 = arith.constant 0 : index
    %swap3A_11 = vector.load %arg4[%swap3A, %swap3A_10] : memref<1000x128xf32, #tpu.memory_space<vmem>>, vector<1000x128xf32>
    tpu.vector_store %arg4[%swap3A, %swap3A_10], %add3A_9 {strides = array<i32>} : memref<1000x128xf32, #tpu.memory_space<vmem>>, vector<1000x128xf32>,
    return
  }
  func.func @transform_0(%arg0: i32) -> (i32, i32) {
    %c0_i32 = arith.constant 0 : i32
    %c0_i32_0 = arith.constant 0 : i32
    return %arg0, %c0_i32 : i32, i32
  }
  func.func @transform_1(%arg0: i32) -> (i32, i32) {
    %c0_i32 = arith.constant 0 : i32
    %c0_i32_0 = arith.constant 0 : i32
    %c0_i32_1 = arith.constant 0 : i32
    return %c0_i32, %c0_i32_0 : i32, i32
  }
  func.func @transform_2(%arg0: i32) -> (i32, i32) {
    %c0_i32 = arith.constant 0 : i32
    %c0_i32_0 = arith.constant 0 : i32
    %c0_i32_1 = arith.constant 0 : i32
    return %c0_i32, %c0_i32_0 : i32, i32
  }
  func.func @transform_3(%arg0: i32) -> (i32, i32) {
    %c0_i32 = arith.constant 0 : i32
    %c0_i32_0 = arith.constant 0 : i32
    return %arg0, %c0_i32 : i32, i32
  }
}

module attributes {stable_mosaic.version = 14 : i64} {
  func.func @_bn_res_kernel(%arg0: i32, %arg1: memref<2x1000x128xf32, #tpu.memory_space<vmem>>, %arg2: memref<1000x128xf32, #tpu.memory_space<vmem>>, %arg3: memref<1000x2xf32, #tpu.memory_space<vmem>>, %arg4: memref<1x128xf32, #tpu.memory_space<vmem>>, %arg5: memref<1000x128xf32, #tpu.memory_space<vmem>>, %arg6: memref<1x128xf32, #tpu.memory_space<vmem>>, %arg7: memref<1x128xf32, #tpu.memory_space<vmem>>, %arg8: memref<1000x128xf32, #tpu.memory_space<vmem>>, %arg9: memref<10000x128xf32, #tpu.memory_space<vmem>>, %arg10: memref<8x128xf32, #tpu.memory_space<vmem>>) attributes {dimension_semantics = [#tpu.dimension_semantics<arbitrary>], iteration_bounds = array<i64: 20>, scalar_prefetch = 0 : i64, scratch_operands = 2 : i64, tpu.core_type = #tpu.core_type<tc>, window_params = [{transform_indices = @transform_0, window_bounds = array<i64: 2, 1000, 128>}, {transform_indices = @transform_1, window_bounds = array<i64: 1000, 128>}, {transform_indices = @transform_2, window_bounds = array<i64: 1000, 2>}, {pipeline_mode = #tpu.pipeline_mode<synchronous>, transform_indices = @transform_3, window_bounds = array<i64: 1, 128>}, {transform_indices = @transform_4, window_bounds = array<i64: 1000, 128>}, {pipeline_mode = #tpu.pipeline_mode<synchronous>, transform_indices = @transform_5, window_bounds = array<i64: 1, 128>}, {pipeline_mode = #tpu.pipeline_mode<synchronous>, transform_indices = @transform_6, window_bounds = array<i64: 1, 128>}, {transform_indices = @transform_7, window_bounds = array<i64: 1000, 128>}]} {
    %lt3A = arith.constant 10 : i32
    %lt3A_0 = arith.cmpi slt, %arg0, %lt3A : i32
    %convert_element_type3A = arith.extui %lt3A_0 : i1 to i32
    %cond3A = arith.constant 0 : i32
    %cond3A_1 = arith.cmpi ne, %convert_element_type3A, %cond3A : i32
    scf.if %cond3A_1 {
      %get3A = arith.constant 0 : index
      %get3A_6 = arith.constant 0 : index
      %get3A_7 = vector.load %arg3[%get3A, %get3A_6] : memref<1000x2xf32, #tpu.memory_space<vmem>>, vector<1000x2xf32>
      %slice3A = vector.extract_strided_slice %get3A_7 {offsets = [0, 0], sizes = [1000, 1], strides = [1, 1]} : vector<1000x2xf32> to vector<1000x1xf32>
      %slice3A_8 = vector.extract_strided_slice %get3A_7 {offsets = [0, 1], sizes = [1000, 1], strides = [1, 1]} : vector<1000x2xf32> to vector<1000x1xf32>
      %add3A = arith.addf %slice3A, %slice3A_8 : vector<1000x1xf32>
      %add3A_9 = arith.constant 1.000000e+00 : f32
      %add3A_10 = vector.broadcast %add3A_9 : f32 to vector<1000x1xf32>
      %add3A_11 = arith.addf %add3A, %add3A_10 : vector<1000x1xf32>
      %rsqrt3A = math.rsqrt %add3A_11 : vector<1000x1xf32>
      %get3A_12 = arith.constant 0 : index
      %get3A_13 = arith.constant 0 : index
      %get3A_14 = arith.constant 0 : index
      %get3A_15 = vector.load %arg1[%get3A_12, %get3A_13, %get3A_14] : memref<2x1000x128xf32, #tpu.memory_space<vmem>>, vector<1x1000x128xf32>
      %get3A_16 = vector.shape_cast %get3A_15 : vector<1x1000x128xf32> to vector<1000x128xf32>
      %get3A_17 = arith.constant 1 : index
      %get3A_18 = arith.constant 0 : index
      %get3A_19 = arith.constant 0 : index
      %get3A_20 = vector.load %arg1[%get3A_17, %get3A_18, %get3A_19] : memref<2x1000x128xf32, #tpu.memory_space<vmem>>, vector<1x1000x128xf32>
      %get3A_21 = vector.shape_cast %get3A_20 : vector<1x1000x128xf32> to vector<1000x128xf32>
      %add3A_22 = arith.addf %get3A_16, %get3A_21 : vector<1000x128xf32>
      %get3A_23 = arith.constant 0 : index
      %get3A_24 = arith.constant 0 : index
      %get3A_25 = vector.load %arg2[%get3A_23, %get3A_24] : memref<1000x128xf32, #tpu.memory_space<vmem>>, vector<1000x128xf32>
      %add3A_26 = arith.addf %add3A_22, %get3A_25 : vector<1000x128xf32>
      %mul3A = vector.broadcast %rsqrt3A : vector<1000x1xf32> to vector<1000x128xf32>
      %mul3A_27 = arith.mulf %mul3A, %add3A_26 : vector<1000x128xf32>
      %get3A_28 = arith.constant 0 : index
      %get3A_29 = arith.constant 0 : index
      %get3A_30 = vector.load %arg4[%get3A_28, %get3A_29] : memref<1x128xf32, #tpu.memory_space<vmem>>, vector<1x128xf32>
      %add3A_31 = vector.broadcast %get3A_30 : vector<1x128xf32> to vector<1000x128xf32>
      %add3A_32 = arith.addf %mul3A_27, %add3A_31 : vector<1000x128xf32>
      %max3A = arith.constant 0.000000e+00 : f32
      %max3A_33 = vector.broadcast %max3A : f32 to vector<1000x128xf32>
      %max3A_34 = arith.maximumf %add3A_32, %max3A_33 : vector<1000x128xf32>
      %mul3A_35 = arith.constant 1000 : i32
      %mul3A_36 = arith.muli %arg0, %mul3A_35 : i32
      %swap3A = arith.index_cast %mul3A_36 : i32 to index
      %swap3A_37 = arith.constant 0 : index
      %swap3A_38 = vector.load %arg9[%swap3A, %swap3A_37] : memref<10000x128xf32, #tpu.memory_space<vmem>>, vector<1000x128xf32>
      tpu.vector_store %arg9[%swap3A, %swap3A_37], %max3A_34 {strides = array<i32>} : memref<10000x128xf32, #tpu.memory_space<vmem>>, vector<1000x128xf32>,
      %eq3A = arith.constant 0 : i32
      %eq3A_39 = arith.cmpi eq, %arg0, %eq3A : i32
      %convert_element_type3A_40 = arith.extui %eq3A_39 : i1 to i32
      %cond3A_41 = arith.constant 0 : i32
      %cond3A_42 = arith.cmpi ne, %convert_element_type3A_40, %cond3A_41 : i32
      scf.if %cond3A_42 {
        %broadcast_in_dim3A_62 = arith.constant 0.000000e+00 : f32
        %broadcast_in_dim3A_63 = vector.broadcast %broadcast_in_dim3A_62 : f32 to vector<8x128xf32>
        %swap3A_64 = arith.constant 0 : index
        %swap3A_65 = arith.constant 0 : index
        %swap3A_66 = vector.load %arg10[%swap3A_64, %swap3A_65] : memref<8x128xf32, #tpu.memory_space<vmem>>, vector<8x128xf32>
        tpu.vector_store %arg10[%swap3A_64, %swap3A_65], %broadcast_in_dim3A_63 {strides = array<i32>} : memref<8x128xf32, #tpu.memory_space<vmem>>, vector<8x128xf32>,
      } else {
      }
      %get3A_43 = arith.constant 0 : index
      %get3A_44 = arith.constant 0 : index
      %get3A_45 = vector.load %arg10[%get3A_43, %get3A_44] : memref<8x128xf32, #tpu.memory_space<vmem>>, vector<1x128xf32>
      %reduce_sum3A = arith.constant dense<0.000000e+00> : vector<128xf32>
      %reduce_sum3A_46 = vector.multi_reduction <add>, %max3A_34, %reduce_sum3A [0] : vector<1000x128xf32> to vector<128xf32>
      %broadcast_in_dim3A = vector.shape_cast %reduce_sum3A_46 : vector<128xf32> to vector<1x128xf32>
      %add3A_47 = arith.addf %get3A_45, %broadcast_in_dim3A : vector<1x128xf32>
      %swap3A_48 = arith.constant 0 : index
      %swap3A_49 = arith.constant 0 : index
      %swap3A_50 = vector.load %arg10[%swap3A_48, %swap3A_49] : memref<8x128xf32, #tpu.memory_space<vmem>>, vector<1x128xf32>
      tpu.vector_store %arg10[%swap3A_48, %swap3A_49], %add3A_47 {strides = array<i32>} : memref<8x128xf32, #tpu.memory_space<vmem>>, vector<1x128xf32>,
      %get3A_51 = arith.constant 1 : index
      %get3A_52 = arith.constant 0 : index
      %get3A_53 = vector.load %arg10[%get3A_51, %get3A_52] : memref<8x128xf32, #tpu.memory_space<vmem>>, vector<1x128xf32>
      %mul3A_54 = arith.mulf %max3A_34, %max3A_34 : vector<1000x128xf32>
      %reduce_sum3A_55 = arith.constant dense<0.000000e+00> : vector<128xf32>
      %reduce_sum3A_56 = vector.multi_reduction <add>, %mul3A_54, %reduce_sum3A_55 [0] : vector<1000x128xf32> to vector<128xf32>
      %broadcast_in_dim3A_57 = vector.shape_cast %reduce_sum3A_56 : vector<128xf32> to vector<1x128xf32>
      %add3A_58 = arith.addf %get3A_53, %broadcast_in_dim3A_57 : vector<1x128xf32>
      %swap3A_59 = arith.constant 1 : index
      %swap3A_60 = arith.constant 0 : index
      %swap3A_61 = vector.load %arg10[%swap3A_59, %swap3A_60] : memref<8x128xf32, #tpu.memory_space<vmem>>, vector<1x128xf32>
      tpu.vector_store %arg10[%swap3A_59, %swap3A_60], %add3A_58 {strides = array<i32>} : memref<8x128xf32, #tpu.memory_space<vmem>>, vector<1x128xf32>,
    } else {
    }
    %ge3A = arith.constant 10 : i32
    %ge3A_2 = arith.cmpi sge, %arg0, %ge3A : i32
    %convert_element_type3A_3 = arith.extui %ge3A_2 : i1 to i32
    %cond3A_4 = arith.constant 0 : i32
    %cond3A_5 = arith.cmpi ne, %convert_element_type3A_3, %cond3A_4 : i32
    scf.if %cond3A_5 {
      %sub3A = arith.constant 10 : i32
      %sub3A_6 = arith.subi %arg0, %sub3A : i32
      %get3A = arith.constant 0 : index
      %get3A_7 = arith.constant 0 : index
      %get3A_8 = vector.load %arg10[%get3A, %get3A_7] : memref<8x128xf32, #tpu.memory_space<vmem>>, vector<1x128xf32>
      %mul3A = arith.constant 9.99999974E-5 : f32
      %mul3A_9 = vector.broadcast %mul3A : f32 to vector<1x128xf32>
      %mul3A_10 = arith.mulf %get3A_8, %mul3A_9 : vector<1x128xf32>
      %get3A_11 = arith.constant 1 : index
      %get3A_12 = arith.constant 0 : index
      %get3A_13 = vector.load %arg10[%get3A_11, %get3A_12] : memref<8x128xf32, #tpu.memory_space<vmem>>, vector<1x128xf32>
      %mul3A_14 = arith.constant 9.99999974E-5 : f32
      %mul3A_15 = vector.broadcast %mul3A_14 : f32 to vector<1x128xf32>
      %mul3A_16 = arith.mulf %get3A_13, %mul3A_15 : vector<1x128xf32>
      %mul3A_17 = arith.mulf %mul3A_10, %mul3A_10 : vector<1x128xf32>
      %sub3A_18 = arith.subf %mul3A_16, %mul3A_17 : vector<1x128xf32>
      %add3A = arith.constant 9.99999974E-6 : f32
      %add3A_19 = vector.broadcast %add3A : f32 to vector<1x128xf32>
      %add3A_20 = arith.addf %sub3A_18, %add3A_19 : vector<1x128xf32>
      %rsqrt3A = math.rsqrt %add3A_20 : vector<1x128xf32>
      %get3A_21 = arith.constant 0 : index
      %get3A_22 = arith.constant 0 : index
      %get3A_23 = vector.load %arg6[%get3A_21, %get3A_22] : memref<1x128xf32, #tpu.memory_space<vmem>>, vector<1x128xf32>
      %mul3A_24 = arith.mulf %rsqrt3A, %get3A_23 : vector<1x128xf32>
      %mul3A_25 = arith.constant 1000 : i32
      %mul3A_26 = arith.muli %sub3A_6, %mul3A_25 : i32
      %get3A_27 = arith.index_cast %mul3A_26 : i32 to index
      %get3A_28 = arith.constant 0 : index
      %get3A_29 = vector.load %arg9[%get3A_27, %get3A_28] : memref<10000x128xf32, #tpu.memory_space<vmem>>, vector<1000x128xf32>
      %sub3A_30 = vector.broadcast %mul3A_10 : vector<1x128xf32> to vector<1000x128xf32>
      %sub3A_31 = arith.subf %get3A_29, %sub3A_30 : vector<1000x128xf32>
      %mul3A_32 = vector.broadcast %mul3A_24 : vector<1x128xf32> to vector<1000x128xf32>
      %mul3A_33 = arith.mulf %sub3A_31, %mul3A_32 : vector<1000x128xf32>
      %get3A_34 = arith.constant 0 : index
      %get3A_35 = arith.constant 0 : index
      %get3A_36 = vector.load %arg7[%get3A_34, %get3A_35] : memref<1x128xf32, #tpu.memory_space<vmem>>, vector<1x128xf32>
      %add3A_37 = vector.broadcast %get3A_36 : vector<1x128xf32> to vector<1000x128xf32>
      %add3A_38 = arith.addf %mul3A_33, %add3A_37 : vector<1000x128xf32>
      %get3A_39 = arith.constant 0 : index
      %get3A_40 = arith.constant 0 : index
      %get3A_41 = vector.load %arg5[%get3A_39, %get3A_40] : memref<1000x128xf32, #tpu.memory_space<vmem>>, vector<1000x128xf32>
      %add3A_42 = arith.addf %add3A_38, %get3A_41 : vector<1000x128xf32>
      %swap3A = arith.constant 0 : index
      %swap3A_43 = arith.constant 0 : index
      %swap3A_44 = vector.load %arg8[%swap3A, %swap3A_43] : memref<1000x128xf32, #tpu.memory_space<vmem>>, vector<1000x128xf32>
      tpu.vector_store %arg8[%swap3A, %swap3A_43], %add3A_42 {strides = array<i32>} : memref<1000x128xf32, #tpu.memory_space<vmem>>, vector<1000x128xf32>,
    } else {
    }
    return
  }
  func.func @transform_0(%arg0: i32) -> (i32, i32, i32) {
    %min3A = arith.constant 9 : i32
    %min3A_0 = arith.minsi %arg0, %min3A : i32
    %c0_i32 = arith.constant 0 : i32
    %c0_i32_1 = arith.constant 0 : i32
    %c0_i32_2 = arith.constant 0 : i32
    return %c0_i32, %min3A_0, %c0_i32_1 : i32, i32, i32
  }
  func.func @transform_1(%arg0: i32) -> (i32, i32) {
    %min3A = arith.constant 9 : i32
    %min3A_0 = arith.minsi %arg0, %min3A : i32
    %c0_i32 = arith.constant 0 : i32
    %c0_i32_1 = arith.constant 0 : i32
    return %min3A_0, %c0_i32 : i32, i32
  }
  func.func @transform_2(%arg0: i32) -> (i32, i32) {
    %min3A = arith.constant 9 : i32
    %min3A_0 = arith.minsi %arg0, %min3A : i32
    %c0_i32 = arith.constant 0 : i32
    %c0_i32_1 = arith.constant 0 : i32
    return %min3A_0, %c0_i32 : i32, i32
  }
  func.func @transform_3(%arg0: i32) -> (i32, i32) {
    %c0_i32 = arith.constant 0 : i32
    %c0_i32_0 = arith.constant 0 : i32
    %c0_i32_1 = arith.constant 0 : i32
    return %c0_i32, %c0_i32_0 : i32, i32
  }
  func.func @transform_4(%arg0: i32) -> (i32, i32) {
    %sub3A = arith.constant 10 : i32
    %sub3A_0 = arith.subi %arg0, %sub3A : i32
    %max3A = arith.constant 0 : i32
    %max3A_1 = arith.maxsi %sub3A_0, %max3A : i32
    %c0_i32 = arith.constant 0 : i32
    %c0_i32_2 = arith.constant 0 : i32
    return %max3A_1, %c0_i32 : i32, i32
  }
  func.func @transform_5(%arg0: i32) -> (i32, i32) {
    %c0_i32 = arith.constant 0 : i32
    %c0_i32_0 = arith.constant 0 : i32
    %c0_i32_1 = arith.constant 0 : i32
    return %c0_i32, %c0_i32_0 : i32, i32
  }
  func.func @transform_6(%arg0: i32) -> (i32, i32) {
    %c0_i32 = arith.constant 0 : i32
    %c0_i32_0 = arith.constant 0 : i32
    %c0_i32_1 = arith.constant 0 : i32
    return %c0_i32, %c0_i32_0 : i32, i32
  }
  func.func @transform_7(%arg0: i32) -> (i32, i32) {
    %sub3A = arith.constant 10 : i32
    %sub3A_0 = arith.subi %arg0, %sub3A : i32
    %max3A = arith.constant 0 : i32
    %max3A_1 = arith.maxsi %sub3A_0, %max3A : i32
    %c0_i32 = arith.constant 0 : i32
    %c0_i32_2 = arith.constant 0 : i32
    return %max3A_1, %c0_i32 : i32, i32
  }
}

</mosaic_0001>

<sc_bundles>
// kernel: kernel.10.cloned.1.call-start
scs
__scs_entry_jumppad:
0x0: {  	(pc) =	sbr.rel $0x88, $3  }
0x1: {  	(tag) =	ssettag $0x0;
	lr =	simm.s32 $0x1  }
0x2: {  	[smem:$0x3F99] =	sst lr;
	_ =	strace $0xD0000000  }
0x3: {  	_ = 	snop  }
0x4: {  	_ = 	snop  }
0x5: {  	_ = 	snop  }
0x6: {  	_ = 	snop  }
0x7: {  	_ = 	snop  }
__scs_overlays_trampoline_lowered:
0x8: {  	[smem:$0x3FA8] =	sst s0  }
0x9: {  	[smem:$0x3FA9] =	sst s1  }
0xa: {  	[smem:$0x3FAA] =	sst s2  }
0xb: {  	[smem:$0x3FAB] =	sst s3  }
0xc: {  	[smem:$0x3FAC] =	sst s4  }
0xd: {  	[smem:$0x3FAD] =	sst s5  }
0xe: {  	[smem:$0x3FAE] =	sst s6  }
0xf: {  	[smem:$0x3FAF] =	sst s7  }
0x10: {  	[smem:$0x3FB0] =	sst s8  }
0x11: {  	[smem:$0x3FB1] =	sst s9;
	s0 =	simm.s32 @!p0 $0x0  }
0x12: {  	s1 =	sld [smem:$0x3F97];
	s0 =	simm.s32 @p0 $0x1  }
0x13: {  	[smem:$0x3FB2] =	sst s0;
	s0 =	simm.s32 @!p1 $0x0  }
0x14: {  	s2 =	sld [smem:$0x3F96];
	s0 =	simm.s32 @p1 $0x1  }
0x15: {  	[smem:$0x3FB3] =	sst s0;
	s0 =	simm.s32 @!p2 $0x0  }
0x16: {  	s3 =	sld [smem:$0x3FDB];
	s0 =	simm.s32 @p2 $0x1  }
0x17: {  	s4 =	simm.s32 $0x1BF5;
	[smem:$0x3FB5] =	sst s0  }
0x18: {  	s0 =	sld [smem:$0x3F98];
	_ =	swait.ge [sflag:s4], $0x0  }
0x19: {  	s7 =	sld [smem:$0x3F99]  }
0x1a: {  	s8 =	sadd.s32 $0xFFFFE003, lr  }
0x1b: {  	s9 =	sadd.s32 $0xFFFFFEF7, lr;
	s5 =	simm.s32 $0xFFFFFFFF;
	p2 =	slt.u32 s8, $0xFFFFF086  }
0x1c: {  	p1 =	slt.u32 s9, $0xF7A;
	s5 =	simm.s32 @!p2 $0x0  }
0x1d: {  	s5 =	simm.s32 @p1 $0x1;
	p0 =	seq.s32 s7, s2  }
0x1e: {  	s7 =	smul.u32 @!p0 $0xF7A, s2;
	p2 =	seq.s32 @!p0 s5, $0x0  }
0x1f: {  	s9 =	smul.u32 $0xF7A, s1;
	s8 =	simm.s32 @!p0 $0x1BF5;
	p2 =	por !p2, p0  }
0x20: {  	[sflag:s8] =	ssyncset.s32 @!p0 $0xFFFFF086;
	s6 =	sadd.s32 @!p0 s3, s7;
	s7 =	simm.s32 @!p0 $0x108  }
0x21: {  	s3 =	sadd.s32 s3, s9;
	s6 =	sadd.s32 @!p0 $0x88, s6;
	s7 =	simm.s32 @p2 $0x1082  }
0x22: {  	[simem:s7], [sflag:s8] =	dma.local @!p0 [hbm:s6], $0xF7A  }
0x23: {  	s9 =	sor.u32 $0xD0000000, s2;
	s6 =	simm.s32 $0x108;
	_ =	swait.ge @!p0 [sflag:s8], $0x0  }
0x24: {  	s3 =	sadd.s32 $0x88, s3;
	s6 =	simm.s32 @!p1 $0x1082;
	[sflag:s4] =	ssyncset.s32 $0xFFFFF086  }
0x25: {  	[simem:s6], [sflag:s4] =	dma.local [hbm:s3], $0xF7A  }
0x26: {  	[smem:$0x3F99] =	sst s1;
	(tag) =	ssettag s2;
	_ =	strace s9  }
0x27: {  	s1 =	sld [smem:$0x3FA9]  }
0x28: {  	s2 =	sld [smem:$0x3FAA]  }
0x29: {  	s4 =	sld [smem:$0x3FAC]  }
0x2a: {  	p0 =	seq.s32 s5, $0x0;
	s5 =	sld [smem:$0x3FAD]  }
0x2b: {  	s6 =	sld [smem:$0x3FAE]  }
0x2c: {  	s7 =	sld [smem:$0x3FAF]  }
0x2d: {  	s3 =	simm.s32 $0x108;
	s8 =	sld [smem:$0x3FB0]  }
0x2e: {  	s3 =	simm.s32 @!p0 $0x1082;
	s9 =	sld [smem:$0x3FB1]  }
0x2f: {  	lr =	sadd.s32 s0, s3;
	s0 =	sld [smem:$0x3FA8]  }
0x30: {  	s3 =	sld [smem:$0x3FAB]  }
0x31: {  	[smem:$0x3FB4] =	sst s10  }
0x32: {  	s10 =	sld [smem:$0x3FB2];
	_ =	sdelay $0x3  }
0x33: {  	p0 =	seq.s32 s10, $0x1;
	s10 =	sld [smem:$0x3FB4];
	_ =	sdelay $0x3  }
0x34: {  	[smem:$0x3FB4] =	sst s10  }
0x35: {  	s10 =	sld [smem:$0x3FB3];
	_ =	sdelay $0x3  }
0x36: {  	p1 =	seq.s32 s10, $0x1;
	s10 =	sld [smem:$0x3FB4];
	_ =	sdelay $0x3  }
0x37: {  	[smem:$0x3FB4] =	sst s10  }
0x38: {  	s10 =	sld [smem:$0x3FB5]  }
0x39: {  	_ = 	snop;
	(pc) =	sbr.ind lr, $3  }
0x3a: {  	_ = 	snop  }
0x3b: {  	_ = 	snop  }
0x3c: {  	p2 =	seq.s32 s10, $0x1;
	s10 =	sld [smem:$0x3FB4]  }
0x3d: {  	_ =	shalt  }
0x3e: {  	_ =	shalt  }
0x3f: {  	_ =	shalt  }
0x40: {  	_ =	shalt  }
0x41: {  	_ =	shalt  }
0x42: {  	_ =	shalt  }
0x43: {  	_ =	shalt  }
0x44: {  	_ =	shalt  }
0x45: {  	_ =	shalt  }
0x46: {  	_ =	shalt  }
0x47: {  	_ =	shalt  }
0x48: {  	_ =	shalt  }
0x49: {  	_ =	shalt  }
0x4a: {  	_ =	shalt  }
0x4b: {  	_ =	shalt  }
0x4c: {  	_ =	shalt  }
0x4d: {  	_ =	shalt  }
0x4e: {  	_ =	shalt  }
0x4f: {  	_ =	shalt  }
0x50: {  	_ =	shalt  }
0x51: {  	_ =	shalt  }
0x52: {  	_ =	shalt  }
0x53: {  	_ =	shalt  }
0x54: {  	_ =	shalt  }
0x55: {  	_ =	shalt  }
0x56: {  	_ =	shalt  }
0x57: {  	_ =	shalt  }
0x58: {  	_ =	shalt  }
0x59: {  	_ =	shalt  }
0x5a: {  	_ =	shalt  }
0x5b: {  	_ =	shalt  }
0x5c: {  	_ =	shalt  }
0x5d: {  	_ =	shalt  }
0x5e: {  	_ =	shalt  }
0x5f: {  	_ =	shalt  }
0x60: {  	_ =	shalt  }
0x61: {  	_ =	shalt  }
0x62: {  	_ =	shalt  }
0x63: {  	_ =	shalt  }
0x64: {  	_ =	shalt  }
0x65: {  	_ =	shalt  }
0x66: {  	_ =	shalt  }
0x67: {  	_ =	shalt  }
0x68: {  	_ =	shalt  }
0x69: {  	_ =	shalt  }
0x6a: {  	_ =	shalt  }
0x6b: {  	_ =	shalt  }
0x6c: {  	_ =	shalt  }
0x6d: {  	_ =	shalt  }
0x6e: {  	_ =	shalt  }
0x6f: {  	_ =	shalt  }
0x70: {  	_ =	shalt  }
0x71: {  	_ =	shalt  }
0x72: {  	_ =	shalt  }
0x73: {  	_ =	shalt  }
0x74: {  	_ =	shalt  }
0x75: {  	_ =	shalt  }
0x76: {  	_ =	shalt  }
0x77: {  	_ =	shalt  }
0x78: {  	_ =	shalt  }
0x79: {  	_ =	shalt  }
0x7a: {  	_ =	shalt  }
0x7b: {  	_ =	shalt  }
0x7c: {  	_ =	shalt  }
0x7d: {  	_ =	shalt  }
0x7e: {  	_ =	shalt  }
0x7f: {  	_ =	shalt  }
0x80: {  	_ =	shalt  }
0x81: {  	_ =	shalt  }
0x82: {  	_ =	shalt  }
0x83: {  	_ =	shalt  }
0x84: {  	_ =	shalt  }
0x85: {  	_ =	shalt  }
0x86: {  	_ =	shalt  }
0x87: {  	_ =	shalt  }
.Lfunc_end0:
.L_simem_size_0:
called_computation.1_lowered:
.L_overlay_start_0:
0x88: {  	s2 =	sld [smem:$0x3FD9]  }
0x89: {  	s3 =	sld [smem:$0x3FFE];
	_ =	sdelay $0x1  }
0x8a: {  	s1 =	srdreg.scid  }
0x8b: {  	s0 =	sand.u32 $0x1, s1  }
0x8c: {  	s17 =	sshll.u32 s0, $0xA;
	s2 =	sadd.s32 s3, s2  }
0x8d: {  	s2 =	sadd.s32 s2, s17  }
0x8e: {  	[smem:$0x3FC0] =	sst s2  }
0x8f: {  	_ = 	snop  }
0x90: {  	s2 =	sld [smem:$0x3FC8]  }
0x91: {  	s18 =	sld [smem:$0x3FD0];
	(tm) =	ssettm $0x1  }
0x92: {  	s4 =	sld [smem:$0x3FFB];
	_ =	sdelay $0x3  }
0x93: {  	_ =	strace s4  }
0x94: {  	s4 =	sld [smem:$0x3FFC];
	_ =	sdelay $0x3  }
0x95: {  	_ =	strace s4  }
0x96: {  	s4 =	sld [smem:$0x3FFD];
	_ =	sdelay $0x3  }
0x97: {  	_ =	strace s4  }
0x98: {  	_ =	strace $0x8FFFFFFF  }
0x99: {  	s19 =	sld [smem:$0x3FDB];
	_ =	sdelay $0x1  }
0x9a: {  	s5 =	simm.s32 $_scs_section_size  }
0x9b: {  	s6 =	simm.s32 $_size__tile_overlayer_lowered;
	s7 =	simm.s32 $_tile_overlayer_lowered  }
0x9c: {  	s22 =	simm.s32 $0x1BFF;
	s21 =	sshll.u32 s7, $0x1;
	s4 =	sadd.s32 s5, s19  }
0x9d: {  	s8 =	simm.s32 $0x0;
	s20 =	sshll.u32 s6, $0x1;
	s6 =	sadd.s32 s21, s4  }
0x9e: {  	[timem:s8], [sflag:s22] =	dma.local [hbm:s6], s20  }
0x9f: {  	_ =	swait.ge [sflag:s22], s20  }
0xa0: {  	s5 =	ssub.s32 $0x0, s20;
	[sflag:s22] =	ssyncset.done $0x0  }
0xa1: {  	[sflag:s22] =	ssyncadd.s32 s5;
	_ =	sdelay $0x1  }
0xa2: {  	s23 =	simm.s32 $0x1B8B  }
0xa3: {  	_ =	swait.ge [sflag:s23], $0x1  }
0xa4: {  	[sflag:s23] =	ssyncset.done $0x0  }
0xa5: {  	s25 =	simm.s32 $0x1B8E;
	s24 =	sld [smem:$0x3FFE];
	[sflag:s23] =	ssyncadd.s32 $0xFFFFFFFF  }
0xa6: {  	s26 =	simm.s32 $execute0_lowered;
	[smem:$0x3FD2] =	sst s25  }
0xa7: {  	s6 =	sshll.u32 s26, $0x1;
	_ =	strace $0x80000049;
	[dreg:$0x1] =	wrdreg $0xFFFFFFFF  }
0xa8: {  	s28 =	simm.s32 $_size_execute0_lowered;
	s4 =	sadd.s32 s4, s6;
	[dreg:$0x0] =	wrdreg $0x0  }
0xa9: {  	s6 =	sshll.u32 s28, $0x1;
	[dreg:$0x2] =	wrdreg s4  }
0xaa: {  	[dreg:$0x3] =	wrdreg s6  }
0xab: {  	[dreg:$0x4] =	wrdreg $0xC0  }
0xac: {  	_ =	task [dreg:s8], $0x5FFFF  }
0xad: {  	[dreg:$0x1] =	wrdreg $0xFFFFFFFF  }
0xae: {  	[dreg:$0x0] =	wrdreg $0x60  }
0xaf: {  	[dreg:$0x2] =	wrdreg s18  }
0xb0: {  	[dreg:$0x3] =	wrdreg s2  }
0xb1: {  	[dreg:$0x4] =	wrdreg s24  }
0xb2: {  	[dreg:$0x5] =	wrdreg $0x9B000  }
0xb3: {  	[dreg:$0x6] =	wrdreg $0x9  }
0xb4: {  	_ =	task.clear_ibuf [dreg:s8], $0x7FFFF;
	_ =	strace $0x90000049  }
0xb5: {  	s29 =	simm.s32 $0x9;
	_ =	strace $0x8000004B  }
0xb6: {  	_ =	swait.ge [sflag:s29], $0x1  }
0xb7: {  	[sflag:s29] =	ssyncadd.s32 $0xFFFFFFFF  }
0xb8: {  	_ =	strace $0x9000004B  }
0xb9: {  	_ =	sfence  }
0xba: {  	s30 =	sld [smem:$0x0];
	_ =	sdelay $0x2  }
0xbb: {  	s31 =	sshll.u32 s1, $0xD;
	s1 =	sshrl.u32 s1, $0x2  }
0xbc: {  	s3 =	sand.u32 $0x4000, s31;
	s1 =	sadd.s32 s1, s30  }
0xbd: {  	s0 =	sor.u32 s3, s0;
	s1 =	sshll.u32 s1, $0x11  }
0xbe: {  	s0 =	sor.u32 s1, s0  }
0xbf: {  	s0 =	sadd.s32 $0x8F2B, s0  }
0xc0: {  	[sflag:s0] =	ssyncadd.remote.s32 $0x1  }
0xc1: {  	_ =	sfence.sel $0xFFFF  }
0xc2: {  	[dreg:$0x0] =	wrdreg $0xFFFFFFFF;
	(pc) =	sbr.abs _section_cstart, $3  }
0xc3: {  	[dreg:$0x1] =	wrdreg $0xFFFFFFFF  }
0xc4: {  	_ =	task.clear_ibuf [dreg:s8], $0x2FFFF;
	_ =	strace $0x9FFFFFFF  }
0xc5: {  	(tm) =	ssettm $0x7FFFFFFF  }
tec
execute0_lowered:
.L_overlay_start_1:
0x0: {  	(tag) =	ssettag $0x1  }
0x1: {  	s0 =	rddreg [dreg:$0x0]  }
0x2: {  	s1 =	rddreg [dreg:$0x1];
	s2 =	srdreg.scid  }
0x3: {  	s4 =	rddreg [dreg:$0x2];
	s10 =	stileid.u32  }
0x4: {  	s3 =	rddreg [dreg:$0x3];
	s7 =	simm.s32 $0x0;
	s28 =	simm.s32 $0x200  }
0x5: {  	s29 =	simm.s32 $0x240;
	s30 =	simm.s32 $0x2;
	s31 =	simm.s32 $0x180  }
0x6: {  	s2 =	sand.u32 $0x1, s2;
	s6 =	smul.u32 $0x14000, s10;
	[smem:$0x7FF] =	sst s7  }
0x7: {  	s16 =	sshll.u32 s10, $0x1;
	s18 =	smul.u32 $0x50000, s10;
	p0 =	sgt.u32 s10, $0x1  }
0x8: {  	s5 =	smul.u32 $0x140000, s2;
	s17 =	ssub.s32 $0x2, s2;
	s2 =	sor.u32 s2, s16  }
0x9: {  	_ =	strace $0x8000004A;
	s16 =	simm.s32 $0x1B00;
	s9 =	smul.u32 $0x4E00, s2  }
0xa: {  	s8 =	sshrl.u32 s17, $0x1;
	s19 =	sshrl.u32 s18, $0x2;
	s20 =	smul.u32 $0x9C0, s2  }
0xb: {  	s2 =	sshll.u32 s2, $0x5;
	s18 =	simm.s32 $0x40;
	s5 =	sadd.s32 s6, s5  }
0xc: {  	s7 =	ssub.s32 s17, s8;
	s17 =	simm.s32 $0x5;
	s5 =	sshrl.u32 s5, $0x3  }
0xd: {  	s21 =	sshrl.u32 s9, $0x3;
	s6 =	sadd.s32 s1, s20;
	s25 =	smax.u32 s7, $0x1  }
0xe: {  	s20 =	simm.s32 $0x100;
	s7 =	simm.s32 $0x1980;
	s4 =	sadd.s32 s5, s4  }
0xf: {  	s5 =	sadd.s32 s19, s3;
	s8 =	sadd.s32 s1, s21;
	[dreg:$0x5] =	wrdreg s6  }
0x10: {  	s1 =	sadd.s32 s2, s1;
	[dreg:$0xa] =	wrdreg s25;
	s19 =	simm.s32 $0x3B00  }
0x11: {  	s21 =	simm.s32 $0x5B00;
	s25 =	simm.s32 $0x80;
	s2 =	simm.s32 $0x4  }
0x12: {  	s6 =	simm.s32 $0x1880;
	s22 =	sadd.s32 $0x340, s8;
	s23 =	sadd.s32 $0x680, s8  }
0x13: {  	s1 =	sadd.s32 $0x13800, s1;
	s24 =	sadd.s32 $0x2000, s4;
	[dreg:$0x6] =	wrdreg s22  }
0x14: {  	s26 =	sadd.s32 $0x4000, s5;
	s13 =	sadd.s32 $0x8000, s5;
	[dreg:$0x7] =	wrdreg s23  }
0x15: {  	s14 =	sadd.s32 $0xC000, s5;
	s15 =	sadd.s32 $0x10000, s5;
	[dreg:$0x8] =	wrdreg s1  }
0x16: {  	s4 =	simm.s32 $0x1940;
	s8 =	simm.s32 $0x0;
	[dreg:$0x9] =	wrdreg s24  }
0x17: {  	[dreg:$0xb] =	wrdreg s26;
	s22 =	simm.s32 $0x140;
	s23 =	simm.s32 $0x7B00  }
0x18: {  	v0 =	vimm.f32 $0.0e+00;
	s24 =	simm.s32 $0x1;
	s26 =	simm.s32 $0x3;
	s1 =	simm.s32 $0x1900  }
.LBB2_1:
0x19: {  	s10 =	simm.s32 $0x0  }
0x1a: {  	s9 =	sand.u32 $0xFE00, s10  }
0x1b: {  	s10 =	sand.u32 $0x70, s10;
	s11 =	sshrl.u32 s9, $0x2  }
0x1c: {  	s9 =	simm.s32 $0x40;
	s11 =	sor.u32 s10, s11;
	s10 =	simm.s32 $0x0  }
.LBB2_2:
0x1d: {  	p1 =	sne.s32 s9, $0xFFC0  }
0x1e: {  	[tilespmem:s11+$0x1B00] =	vst v0;
	s10 =	sadd.s32 $0x10, s10;
	s11 =	smov.u32 s9;
	s9 =	sadd.s32 $0x40, s9  }
.Ltmp0:
0x1f: {  	(pc) =	sbr.rel @p1 .LBB2_2-.Ltmp0, $4  }
0x20: {  	_ = 	snop  }
0x21: {  	s11 =	sand.u32 $0xFE00, s11  }
0x22: {  	s12 =	sand.u32 $0x70, s10;
	s11 =	sshrl.u32 s11, $0x2  }
0x23: {  	s11 =	sor.u32 s12, s11  }
0x24: {  	[tilespmem:s11+$0x1B00] =	vst v0  }
0x25: {  	[spmem:s5] =	stream.linear.scatter [tilespmem:s16], [sflag:$0x5], $0x4000, $0x38;
	[tilespmem:$0x1DB00] =	vst v63  }
0x26: {  	_ =	swait.ge [sflag:s17], $0x4000  }
0x27: {  	[sflag:s17] =	ssyncset.done $0x0  }
0x28: {  	s9 =	rddreg [dreg:$0xb];
	[sflag:s17] =	ssyncadd.s32 $0xFFFFC000  }
0x29: {  	[spmem:s9] =	stream.linear.scatter [tilespmem:s16], [sflag:$0x5], $0x4000, $0x38;
	[tilespmem:$0x1DB00] =	vst v63  }
0x2a: {  	_ =	swait.ge [sflag:s17], $0x4000  }
0x2b: {  	[sflag:s17] =	ssyncset.done $0x0  }
0x2c: {  	[sflag:s17] =	ssyncadd.s32 $0xFFFFC000  }
0x2d: {  	[spmem:s13] =	stream.linear.scatter [tilespmem:s16], [sflag:$0x5], $0x4000, $0x38;
	[tilespmem:$0x1DB00] =	vst v63  }
0x2e: {  	_ =	swait.ge [sflag:s17], $0x4000  }
0x2f: {  	[sflag:s17] =	ssyncset.done $0x0  }
0x30: {  	[sflag:s17] =	ssyncadd.s32 $0xFFFFC000  }
0x31: {  	[spmem:s14] =	stream.linear.scatter [tilespmem:s16], [sflag:$0x5], $0x4000, $0x38;
	[tilespmem:$0x1DB00] =	vst v63  }
0x32: {  	_ =	swait.ge [sflag:s17], $0x4000  }
0x33: {  	[sflag:s17] =	ssyncset.done $0x0  }
0x34: {  	[sflag:s17] =	ssyncadd.s32 $0xFFFFC000  }
0x35: {  	[spmem:s15] =	stream.linear.scatter [tilespmem:s16], [sflag:$0x5], $0x4000, $0x38;
	[tilespmem:$0x1DB00] =	vst v63  }
0x36: {  	_ =	swait.ge [sflag:s17], $0x4000  }
0x37: {  	[sflag:s17] =	ssyncset.done $0x0  }
0x38: {  	[sflag:s17] =	ssyncadd.s32 $0xFFFFC000  }
0x39: {  	[bflag:$0x0] =	sbarrier.arrive $0xFFFF  }
0x3a: {  	s12 =	simm.s32 $0x0;
	s10 =	rddreg [dreg:$0x5]  }
0x3b: {  	[tilespmem:s12], [sflag:$0x5] =	stream.linear.gather [hbm4b:s10+s12], $0x1A00, $0x38;
	[tilespmem:$0x1DB00] =	vst v63  }
0x3c: {  	_ =	swait.ge [sflag:s17], $0x1A00  }
0x3d: {  	[sflag:s17] =	ssyncset.done $0x0  }
0x3e: {  	[sflag:s17] =	ssyncadd.s32 $0xFFFFE600  }
0x3f: {  	[tilespmem:s16], [sflag:$0x1] =	stream.indirect.gather [hbm4b:s0+s18], $0x80, s12, s18, $0xb8;
	[tilespmem:$0x1DB00] =	vst v63  }
0x40: {  	_ = 	snop  }
0x41: {  	[tilespmem:s19], [sflag:$0x1] =	stream.indirect.gather [hbm4b:s0+s18], $0x80, s18, s18, $0xb8;
	[tilespmem:$0x1DB00] =	vst v63  }
0x42: {  	_ = 	snop  }
0x43: {  	[tilespmem:s21], [sflag:$0x2] =	stream.indirect.gather [hbm4b:s0+s18], $0x80, s20, s18, $0xb8;
	[tilespmem:$0x1DB00] =	vst v63  }
0x44: {  	_ = 	snop  }
0x45: {  	[tilespmem:s23], [sflag:$0x2] =	stream.indirect.gather [hbm4b:s0+s18], $0x80, s22, s18, $0xb8;
	[tilespmem:$0x1DB00] =	vst v63  }
0x46: {  	_ =	swait.ge [sflag:s24], $0x2000  }
0x47: {  	[sflag:s24] =	ssyncset.done $0x0  }
0x48: {  	[sflag:s24] =	ssyncadd.s32 $0xFFFFE000  }
0x49: {  	_ =	swait.ge [sflag:s24], $0x2000  }
0x4a: {  	[sflag:s24] =	ssyncset.done $0x0  }
0x4b: {  	[sflag:s24] =	ssyncadd.s32 $0xFFFFE000  }
0x4c: {  	[spmem:s3] =	stream.indirect.scatter.add.f32 [tilespmem:s16], [sflag:$0x3], $0x80, s25, s25, $0xb8;
	[tilespmem:$0x1DB00] =	vst v63  }
0x4d: {  	_ =	swait.ge [sflag:s26], $0x4000  }
0x4e: {  	[sflag:s26] =	ssyncset.done $0x0  }
0x4f: {  	[sflag:s26] =	ssyncadd.s32 $0xFFFFC000  }
0x50: {  	[tilespmem:s16], [sflag:$0x1] =	stream.indirect.gather [hbm4b:s0+s18], $0x80, s28, s18, $0xb8;
	[tilespmem:$0x1DB00] =	vst v63  }
0x51: {  	_ = 	snop  }
0x52: {  	[tilespmem:s19], [sflag:$0x1] =	stream.indirect.gather [hbm4b:s0+s18], $0x80, s29, s18, $0xb8;
	[tilespmem:$0x1DB00] =	vst v63  }
0x53: {  	_ =	swait.ge [sflag:s30], $0x2000  }
0x54: {  	[sflag:s30] =	ssyncset.done $0x0  }
0x55: {  	[sflag:s30] =	ssyncadd.s32 $0xFFFFE000  }
0x56: {  	_ =	swait.ge [sflag:s30], $0x2000  }
0x57: {  	[sflag:s30] =	ssyncset.done $0x0  }
0x58: {  	[sflag:s30] =	ssyncadd.s32 $0xFFFFE000  }
0x59: {  	[spmem:s3] =	stream.indirect.scatter.add.f32 [tilespmem:s21], [sflag:$0x4], $0x80, s31, s25, $0xb8;
	[tilespmem:$0x1DB00] =	vst v63  }
0x5a: {  	_ =	swait.ge [sflag:s2], $0x4000  }
0x5b: {  	[sflag:s2] =	ssyncset.done $0x0  }
0x5c: {  	s11 =	simm.s32 $0x300;
	[sflag:s2] =	ssyncadd.s32 $0xFFFFC000  }
0x5d: {  	[tilespmem:s21], [sflag:$0x2] =	stream.indirect.gather [hbm4b:s0+s18], $0x80, s11, s18, $0xb8;
	[tilespmem:$0x1DB00] =	vst v63  }
0x5e: {  	s12 =	simm.s32 $0x340  }
0x5f: {  	[tilespmem:s23], [sflag:$0x2] =	stream.indirect.gather [hbm4b:s0+s18], $0x80, s12, s18, $0xb8;
	[tilespmem:$0x1DB00] =	vst v63  }
0x60: {  	_ =	swait.ge [sflag:s24], $0x2000  }
0x61: {  	[sflag:s24] =	ssyncset.done $0x0  }
0x62: {  	[sflag:s24] =	ssyncadd.s32 $0xFFFFE000  }
0x63: {  	_ =	swait.ge [sflag:s24], $0x2000  }
0x64: {  	[sflag:s24] =	ssyncset.done $0x0  }
0x65: {  	s10 =	simm.s32 $0x280;
	[sflag:s24] =	ssyncadd.s32 $0xFFFFE000  }
0x66: {  	[spmem:s3] =	stream.indirect.scatter.add.f32 [tilespmem:s16], [sflag:$0x3], $0x80, s10, s25, $0xb8;
	[tilespmem:$0x1DB00] =	vst v63  }
0x67: {  	_ =	swait.ge [sflag:s26], $0x4000  }
0x68: {  	[sflag:s26] =	ssyncset.done $0x0  }
0x69: {  	s11 =	simm.s32 $0x400;
	[sflag:s26] =	ssyncadd.s32 $0xFFFFC000  }
0x6a: {  	[tilespmem:s16], [sflag:$0x1] =	stream.indirect.gather [hbm4b:s0+s18], $0x80, s11, s18, $0xb8;
	[tilespmem:$0x1DB00] =	vst v63  }
0x6b: {  	s12 =	simm.s32 $0x440  }
0x6c: {  	[tilespmem:s19], [sflag:$0x1] =	stream.indirect.gather [hbm4b:s0+s18], $0x80, s12, s18, $0xb8;
	[tilespmem:$0x1DB00] =	vst v63  }
0x6d: {  	_ =	swait.ge [sflag:s30], $0x2000  }
0x6e: {  	[sflag:s30] =	ssyncset.done $0x0  }
0x6f: {  	[sflag:s30] =	ssyncadd.s32 $0xFFFFE000  }
0x70: {  	_ =	swait.ge [sflag:s30], $0x2000  }
0x71: {  	[sflag:s30] =	ssyncset.done $0x0  }
0x72: {  	s9 =	simm.s32 $0x800;
	s10 =	simm.s32 $0x380;
	[sflag:s30] =	ssyncadd.s32 $0xFFFFE000  }
.LBB2_4:
0x73: {  	[spmem:s3] =	stream.indirect.scatter.add.f32 [tilespmem:s21], [sflag:$0x4], $0x80, s10, s25, $0xb8;
	[tilespmem:$0x1DB00] =	vst v63  }
0x74: {  	s10 =	smov.u32 s9  }
0x75: {  	p1 =	sne.s32 s9, $0x5000;
	s9 =	sadd.s32 $0x800, s9;
	_ =	swait.ge [sflag:s2], $0x4000  }
0x76: {  	s10 =	sshra.s32 s10, $0x2;
	[sflag:s2] =	ssyncset.done $0x0  }
0x77: {  	s11 =	sadd.s32 $0x300, s10;
	[sflag:s2] =	ssyncadd.s32 $0xFFFFC000  }
0x78: {  	[tilespmem:s21], [sflag:$0x2] =	stream.indirect.gather [hbm4b:s0+s18], $0x80, s11, s18, $0xb8;
	[tilespmem:$0x1DB00] =	vst v63  }
0x79: {  	s11 =	sadd.s32 $0x340, s10  }
0x7a: {  	[tilespmem:s23], [sflag:$0x2] =	stream.indirect.gather [hbm4b:s0+s18], $0x80, s11, s18, $0xb8;
	[tilespmem:$0x1DB00] =	vst v63  }
0x7b: {  	_ =	swait.ge [sflag:s24], $0x2000  }
0x7c: {  	[sflag:s24] =	ssyncset.done $0x0  }
0x7d: {  	[sflag:s24] =	ssyncadd.s32 $0xFFFFE000  }
0x7e: {  	_ =	swait.ge [sflag:s24], $0x2000  }
0x7f: {  	[sflag:s24] =	ssyncset.done $0x0  }
0x80: {  	s11 =	sadd.s32 $0x280, s10;
	[sflag:s24] =	ssyncadd.s32 $0xFFFFE000  }
0x81: {  	[spmem:s3] =	stream.indirect.scatter.add.f32 [tilespmem:s16], [sflag:$0x3], $0x80, s11, s25, $0xb8;
	[tilespmem:$0x1DB00] =	vst v63  }
0x82: {  	_ =	swait.ge [sflag:s26], $0x4000  }
0x83: {  	[sflag:s26] =	ssyncset.done $0x0  }
0x84: {  	s11 =	sadd.s32 $0x400, s10;
	[sflag:s26] =	ssyncadd.s32 $0xFFFFC000  }
0x85: {  	[tilespmem:s16], [sflag:$0x1] =	stream.indirect.gather [hbm4b:s0+s18], $0x80, s11, s18, $0xb8;
	[tilespmem:$0x1DB00] =	vst v63  }
0x86: {  	s11 =	sadd.s32 $0x440, s10  }
0x87: {  	[tilespmem:s19], [sflag:$0x1] =	stream.indirect.gather [hbm4b:s0+s18], $0x80, s11, s18, $0xb8;
	[tilespmem:$0x1DB00] =	vst v63  }
0x88: {  	_ =	swait.ge [sflag:s30], $0x2000  }
.Ltmp1:
0x89: {  	[sflag:s30] =	ssyncset.done $0x0;
	(pc) =	sbr.rel @p1 .LBB2_4-.Ltmp1, $4  }
0x8a: {  	[sflag:s30] =	ssyncadd.s32 $0xFFFFE000  }
0x8b: {  	_ =	swait.ge [sflag:s30], $0x2000  }
0x8c: {  	[sflag:s30] =	ssyncset.done $0x0  }
0x8d: {  	s10 =	sadd.s32 $0x380, s10;
	[sflag:s30] =	ssyncadd.s32 $0xFFFFE000  }
0x8e: {  	[spmem:s3] =	stream.indirect.scatter.add.f32 [tilespmem:s21], [sflag:$0x4], $0x80, s10, s25, $0xb8;
	[tilespmem:$0x1DB00] =	vst v63  }
0x8f: {  	_ =	swait.ge [sflag:s2], $0x4000  }
0x90: {  	[sflag:s2] =	ssyncset.done $0x0  }
0x91: {  	[sflag:s2] =	ssyncadd.s32 $0xFFFFC000  }
0x92: {  	[tilespmem:s21], [sflag:$0x2] =	stream.indirect.gather [hbm4b:s0+s18], $0x80, s1, s18, $0xb8;
	[tilespmem:$0x1DB00] =	vst v63  }
0x93: {  	_ = 	snop  }
0x94: {  	[tilespmem:s23], [sflag:$0x2] =	stream.indirect.gather [hbm4b:s0+s18], $0x80, s4, s18, $0xb8;
	[tilespmem:$0x1DB00] =	vst v63  }
0x95: {  	_ =	swait.ge [sflag:s24], $0x2000  }
0x96: {  	[sflag:s24] =	ssyncset.done $0x0  }
0x97: {  	[sflag:s24] =	ssyncadd.s32 $0xFFFFE000  }
0x98: {  	_ =	swait.ge [sflag:s24], $0x2000  }
0x99: {  	[sflag:s24] =	ssyncset.done $0x0  }
0x9a: {  	[sflag:s24] =	ssyncadd.s32 $0xFFFFE000  }
0x9b: {  	[spmem:s3] =	stream.indirect.scatter.add.f32 [tilespmem:s16], [sflag:$0x3], $0x80, s6, s25, $0xb8;
	[tilespmem:$0x1DB00] =	vst v63  }
0x9c: {  	_ =	swait.ge [sflag:s26], $0x4000  }
0x9d: {  	[sflag:s26] =	ssyncset.done $0x0  }
0x9e: {  	[sflag:s26] =	ssyncadd.s32 $0xFFFFC000  }
0x9f: {  	_ =	swait.ge [sflag:s30], $0x2000  }
0xa0: {  	[sflag:s30] =	ssyncset.done $0x0  }
0xa1: {  	[sflag:s30] =	ssyncadd.s32 $0xFFFFE000  }
0xa2: {  	_ =	swait.ge [sflag:s30], $0x2000  }
0xa3: {  	[sflag:s30] =	ssyncset.done $0x0  }
0xa4: {  	[sflag:s30] =	ssyncadd.s32 $0xFFFFE000  }
0xa5: {  	[spmem:s3] =	stream.indirect.scatter.add.f32 [tilespmem:s21], [sflag:$0x4], $0x80, s7, s25, $0xb8;
	[tilespmem:$0x1DB00] =	vst v63  }
0xa6: {  	_ =	swait.ge [sflag:s2], $0x4000  }
0xa7: {  	[sflag:s2] =	ssyncset.done $0x0  }
0xa8: {  	s9 =	simm.s32 $0x0;
	s12 =	rddreg [dreg:$0x6];
	[sflag:s2] =	ssyncadd.s32 $0xFFFFC000  }
0xa9: {  	[tilespmem:s9], [sflag:$0x5] =	stream.linear.gather [hbm4b:s12+s9], $0x1A00, $0x38;
	[tilespmem:$0x1DB00] =	vst v63  }
0xaa: {  	_ =	swait.ge [sflag:s17], $0x1A00  }
0xab: {  	[sflag:s17] =	ssyncset.done $0x0  }
0xac: {  	[sflag:s17] =	ssyncadd.s32 $0xFFFFE600  }
0xad: {  	[tilespmem:s16], [sflag:$0x1] =	stream.indirect.gather [hbm4b:s0+s18], $0x80, s9, s18, $0xb8;
	[tilespmem:$0x1DB00] =	vst v63  }
0xae: {  	_ = 	snop  }
0xaf: {  	[tilespmem:s19], [sflag:$0x1] =	stream.indirect.gather [hbm4b:s0+s18], $0x80, s18, s18, $0xb8;
	[tilespmem:$0x1DB00] =	vst v63  }
0xb0: {  	_ = 	snop  }
0xb1: {  	[tilespmem:s21], [sflag:$0x2] =	stream.indirect.gather [hbm4b:s0+s18], $0x80, s20, s18, $0xb8;
	[tilespmem:$0x1DB00] =	vst v63  }
0xb2: {  	_ = 	snop  }
0xb3: {  	[tilespmem:s23], [sflag:$0x2] =	stream.indirect.gather [hbm4b:s0+s18], $0x80, s22, s18, $0xb8;
	[tilespmem:$0x1DB00] =	vst v63  }
0xb4: {  	_ =	swait.ge [sflag:s24], $0x2000  }
0xb5: {  	[sflag:s24] =	ssyncset.done $0x0  }
0xb6: {  	[sflag:s24] =	ssyncadd.s32 $0xFFFFE000  }
0xb7: {  	_ =	swait.ge [sflag:s24], $0x2000  }
0xb8: {  	[sflag:s24] =	ssyncset.done $0x0  }
0xb9: {  	[sflag:s24] =	ssyncadd.s32 $0xFFFFE000  }
0xba: {  	[spmem:s3] =	stream.indirect.scatter.add.f32 [tilespmem:s16], [sflag:$0x3], $0x80, s25, s25, $0xb8;
	[tilespmem:$0x1DB00] =	vst v63  }
0xbb: {  	_ =	swait.ge [sflag:s26], $0x4000  }
0xbc: {  	[sflag:s26] =	ssyncset.done $0x0  }
0xbd: {  	[sflag:s26] =	ssyncadd.s32 $0xFFFFC000  }
0xbe: {  	[tilespmem:s16], [sflag:$0x1] =	stream.indirect.gather [hbm4b:s0+s18], $0x80, s28, s18, $0xb8;
	[tilespmem:$0x1DB00] =	vst v63  }
0xbf: {  	_ = 	snop  }
0xc0: {  	[tilespmem:s19], [sflag:$0x1] =	stream.indirect.gather [hbm4b:s0+s18], $0x80, s29, s18, $0xb8;
	[tilespmem:$0x1DB00] =	vst v63  }
0xc1: {  	_ =	swait.ge [sflag:s30], $0x2000  }
0xc2: {  	[sflag:s30] =	ssyncset.done $0x0  }
0xc3: {  	[sflag:s30] =	ssyncadd.s32 $0xFFFFE000  }
0xc4: {  	_ =	swait.ge [sflag:s30], $0x2000  }
0xc5: {  	[sflag:s30] =	ssyncset.done $0x0  }
0xc6: {  	[sflag:s30] =	ssyncadd.s32 $0xFFFFE000  }
0xc7: {  	[spmem:s3] =	stream.indirect.scatter.add.f32 [tilespmem:s21], [sflag:$0x4], $0x80, s31, s25, $0xb8;
	[tilespmem:$0x1DB00] =	vst v63  }
0xc8: {  	_ =	swait.ge [sflag:s2], $0x4000  }
0xc9: {  	[sflag:s2] =	ssyncset.done $0x0  }
0xca: {  	s11 =	simm.s32 $0x300;
	[sflag:s2] =	ssyncadd.s32 $0xFFFFC000  }
0xcb: {  	[tilespmem:s21], [sflag:$0x2] =	stream.indirect.gather [hbm4b:s0+s18], $0x80, s11, s18, $0xb8;
	[tilespmem:$0x1DB00] =	vst v63  }
0xcc: {  	s12 =	simm.s32 $0x340  }
0xcd: {  	[tilespmem:s23], [sflag:$0x2] =	stream.indirect.gather [hbm4b:s0+s18], $0x80, s12, s18, $0xb8;
	[tilespmem:$0x1DB00] =	vst v63  }
0xce: {  	_ =	swait.ge [sflag:s24], $0x2000  }
0xcf: {  	[sflag:s24] =	ssyncset.done $0x0  }
0xd0: {  	[sflag:s24] =	ssyncadd.s32 $0xFFFFE000  }
0xd1: {  	_ =	swait.ge [sflag:s24], $0x2000  }
0xd2: {  	[sflag:s24] =	ssyncset.done $0x0  }
0xd3: {  	s10 =	simm.s32 $0x280;
	[sflag:s24] =	ssyncadd.s32 $0xFFFFE000  }
0xd4: {  	[spmem:s3] =	stream.indirect.scatter.add.f32 [tilespmem:s16], [sflag:$0x3], $0x80, s10, s25, $0xb8;
	[tilespmem:$0x1DB00] =	vst v63  }
0xd5: {  	_ =	swait.ge [sflag:s26], $0x4000  }
0xd6: {  	[sflag:s26] =	ssyncset.done $0x0  }
0xd7: {  	s11 =	simm.s32 $0x400;
	[sflag:s26] =	ssyncadd.s32 $0xFFFFC000  }
0xd8: {  	[tilespmem:s16], [sflag:$0x1] =	stream.indirect.gather [hbm4b:s0+s18], $0x80, s11, s18, $0xb8;
	[tilespmem:$0x1DB00] =	vst v63  }
0xd9: {  	s12 =	simm.s32 $0x440  }
0xda: {  	[tilespmem:s19], [sflag:$0x1] =	stream.indirect.gather [hbm4b:s0+s18], $0x80, s12, s18, $0xb8;
	[tilespmem:$0x1DB00] =	vst v63  }
0xdb: {  	_ =	swait.ge [sflag:s30], $0x2000  }
0xdc: {  	[sflag:s30] =	ssyncset.done $0x0  }
0xdd: {  	[sflag:s30] =	ssyncadd.s32 $0xFFFFE000  }
0xde: {  	_ =	swait.ge [sflag:s30], $0x2000  }
0xdf: {  	[sflag:s30] =	ssyncset.done $0x0  }
0xe0: {  	s9 =	simm.s32 $0x800;
	s10 =	simm.s32 $0x380;
	[sflag:s30] =	ssyncadd.s32 $0xFFFFE000  }
.LBB2_6:
0xe1: {  	[spmem:s3] =	stream.indirect.scatter.add.f32 [tilespmem:s21], [sflag:$0x4], $0x80, s10, s25, $0xb8;
	[tilespmem:$0x1DB00] =	vst v63  }
0xe2: {  	s10 =	smov.u32 s9  }
0xe3: {  	p1 =	sne.s32 s9, $0x5000;
	s9 =	sadd.s32 $0x800, s9;
	_ =	swait.ge [sflag:s2], $0x4000  }
0xe4: {  	s10 =	sshra.s32 s10, $0x2;
	[sflag:s2] =	ssyncset.done $0x0  }
0xe5: {  	s11 =	sadd.s32 $0x300, s10;
	[sflag:s2] =	ssyncadd.s32 $0xFFFFC000  }
0xe6: {  	[tilespmem:s21], [sflag:$0x2] =	stream.indirect.gather [hbm4b:s0+s18], $0x80, s11, s18, $0xb8;
	[tilespmem:$0x1DB00] =	vst v63  }
0xe7: {  	s11 =	sadd.s32 $0x340, s10  }
0xe8: {  	[tilespmem:s23], [sflag:$0x2] =	stream.indirect.gather [hbm4b:s0+s18], $0x80, s11, s18, $0xb8;
	[tilespmem:$0x1DB00] =	vst v63  }
0xe9: {  	_ =	swait.ge [sflag:s24], $0x2000  }
0xea: {  	[sflag:s24] =	ssyncset.done $0x0  }
0xeb: {  	[sflag:s24] =	ssyncadd.s32 $0xFFFFE000  }
0xec: {  	_ =	swait.ge [sflag:s24], $0x2000  }
0xed: {  	[sflag:s24] =	ssyncset.done $0x0  }
0xee: {  	s11 =	sadd.s32 $0x280, s10;
	[sflag:s24] =	ssyncadd.s32 $0xFFFFE000  }
0xef: {  	[spmem:s3] =	stream.indirect.scatter.add.f32 [tilespmem:s16], [sflag:$0x3], $0x80, s11, s25, $0xb8;
	[tilespmem:$0x1DB00] =	vst v63  }
0xf0: {  	_ =	swait.ge [sflag:s26], $0x4000  }
0xf1: {  	[sflag:s26] =	ssyncset.done $0x0  }
0xf2: {  	s11 =	sadd.s32 $0x400, s10;
	[sflag:s26] =	ssyncadd.s32 $0xFFFFC000  }
0xf3: {  	[tilespmem:s16], [sflag:$0x1] =	stream.indirect.gather [hbm4b:s0+s18], $0x80, s11, s18, $0xb8;
	[tilespmem:$0x1DB00] =	vst v63  }
0xf4: {  	s11 =	sadd.s32 $0x440, s10  }
0xf5: {  	[tilespmem:s19], [sflag:$0x1] =	stream.indirect.gather [hbm4b:s0+s18], $0x80, s11, s18, $0xb8;
	[tilespmem:$0x1DB00] =	vst v63  }
0xf6: {  	_ =	swait.ge [sflag:s30], $0x2000  }
.Ltmp2:
0xf7: {  	[sflag:s30] =	ssyncset.done $0x0;
	(pc) =	sbr.rel @p1 .LBB2_6-.Ltmp2, $4  }
0xf8: {  	[sflag:s30] =	ssyncadd.s32 $0xFFFFE000  }
0xf9: {  	_ =	swait.ge [sflag:s30], $0x2000  }
0xfa: {  	[sflag:s30] =	ssyncset.done $0x0  }
0xfb: {  	s10 =	sadd.s32 $0x380, s10;
	[sflag:s30] =	ssyncadd.s32 $0xFFFFE000  }
0xfc: {  	[spmem:s3] =	stream.indirect.scatter.add.f32 [tilespmem:s21], [sflag:$0x4], $0x80, s10, s25, $0xb8;
	[tilespmem:$0x1DB00] =	vst v63  }
0xfd: {  	_ =	swait.ge [sflag:s2], $0x4000  }
0xfe: {  	[sflag:s2] =	ssyncset.done $0x0  }
0xff: {  	[sflag:s2] =	ssyncadd.s32 $0xFFFFC000  }
0x100: {  	[tilespmem:s21], [sflag:$0x2] =	stream.indirect.gather [hbm4b:s0+s18], $0x80, s1, s18, $0xb8;
	[tilespmem:$0x1DB00] =	vst v63  }
0x101: {  	_ = 	snop  }
0x102: {  	[tilespmem:s23], [sflag:$0x2] =	stream.indirect.gather [hbm4b:s0+s18], $0x80, s4, s18, $0xb8;
	[tilespmem:$0x1DB00] =	vst v63  }
0x103: {  	_ =	swait.ge [sflag:s24], $0x2000  }
0x104: {  	[sflag:s24] =	ssyncset.done $0x0  }
0x105: {  	[sflag:s24] =	ssyncadd.s32 $0xFFFFE000  }
0x106: {  	_ =	swait.ge [sflag:s24], $0x2000  }
0x107: {  	[sflag:s24] =	ssyncset.done $0x0  }
0x108: {  	[sflag:s24] =	ssyncadd.s32 $0xFFFFE000  }
0x109: {  	[spmem:s3] =	stream.indirect.scatter.add.f32 [tilespmem:s16], [sflag:$0x3], $0x80, s6, s25, $0xb8;
	[tilespmem:$0x1DB00] =	vst v63  }
0x10a: {  	_ =	swait.ge [sflag:s26], $0x4000  }
0x10b: {  	[sflag:s26] =	ssyncset.done $0x0  }
0x10c: {  	[sflag:s26] =	ssyncadd.s32 $0xFFFFC000  }
0x10d: {  	_ =	swait.ge [sflag:s30], $0x2000  }
0x10e: {  	[sflag:s30] =	ssyncset.done $0x0  }
0x10f: {  	[sflag:s30] =	ssyncadd.s32 $0xFFFFE000  }
0x110: {  	_ =	swait.ge [sflag:s30], $0x2000  }
0x111: {  	[sflag:s30] =	ssyncset.done $0x0  }
0x112: {  	[sflag:s30] =	ssyncadd.s32 $0xFFFFE000  }
0x113: {  	[spmem:s3] =	stream.indirect.scatter.add.f32 [tilespmem:s21], [sflag:$0x4], $0x80, s7, s25, $0xb8;
	[tilespmem:$0x1DB00] =	vst v63  }
0x114: {  	_ =	swait.ge [sflag:s2], $0x4000  }
0x115: {  	[sflag:s2] =	ssyncset.done $0x0  }
0x116: {  	s9 =	simm.s32 $0x0;
	s12 =	rddreg [dreg:$0x7];
	[sflag:s2] =	ssyncadd.s32 $0xFFFFC000  }
0x117: {  	[tilespmem:s9], [sflag:$0x5] =	stream.linear.gather [hbm4b:s12+s9], $0x1A00, $0x38;
	[tilespmem:$0x1DB00] =	vst v63  }
0x118: {  	_ =	swait.ge [sflag:s17], $0x1A00  }
0x119: {  	[sflag:s17] =	ssyncset.done $0x0  }
0x11a: {  	[sflag:s17] =	ssyncadd.s32 $0xFFFFE600  }
0x11b: {  	[tilespmem:s16], [sflag:$0x1] =	stream.indirect.gather [hbm4b:s0+s18], $0x80, s9, s18, $0xb8;
	[tilespmem:$0x1DB00] =	vst v63  }
0x11c: {  	_ = 	snop  }
0x11d: {  	[tilespmem:s19], [sflag:$0x1] =	stream.indirect.gather [hbm4b:s0+s18], $0x80, s18, s18, $0xb8;
	[tilespmem:$0x1DB00] =	vst v63  }
0x11e: {  	_ = 	snop  }
0x11f: {  	[tilespmem:s21], [sflag:$0x2] =	stream.indirect.gather [hbm4b:s0+s18], $0x80, s20, s18, $0xb8;
	[tilespmem:$0x1DB00] =	vst v63  }
0x120: {  	_ = 	snop  }
0x121: {  	[tilespmem:s23], [sflag:$0x2] =	stream.indirect.gather [hbm4b:s0+s18], $0x80, s22, s18, $0xb8;
	[tilespmem:$0x1DB00] =	vst v63  }
0x122: {  	_ =	swait.ge [sflag:s24], $0x2000  }
0x123: {  	[sflag:s24] =	ssyncset.done $0x0  }
0x124: {  	[sflag:s24] =	ssyncadd.s32 $0xFFFFE000  }
0x125: {  	_ =	swait.ge [sflag:s24], $0x2000  }
0x126: {  	[sflag:s24] =	ssyncset.done $0x0  }
0x127: {  	[sflag:s24] =	ssyncadd.s32 $0xFFFFE000  }
0x128: {  	[spmem:s3] =	stream.indirect.scatter.add.f32 [tilespmem:s16], [sflag:$0x3], $0x80, s25, s25, $0xb8;
	[tilespmem:$0x1DB00] =	vst v63  }
0x129: {  	_ =	swait.ge [sflag:s26], $0x4000  }
0x12a: {  	[sflag:s26] =	ssyncset.done $0x0  }
0x12b: {  	[sflag:s26] =	ssyncadd.s32 $0xFFFFC000  }
0x12c: {  	[tilespmem:s16], [sflag:$0x1] =	stream.indirect.gather [hbm4b:s0+s18], $0x80, s28, s18, $0xb8;
	[tilespmem:$0x1DB00] =	vst v63  }
0x12d: {  	_ = 	snop  }
0x12e: {  	[tilespmem:s19], [sflag:$0x1] =	stream.indirect.gather [hbm4b:s0+s18], $0x80, s29, s18, $0xb8;
	[tilespmem:$0x1DB00] =	vst v63  }
0x12f: {  	_ =	swait.ge [sflag:s30], $0x2000  }
0x130: {  	[sflag:s30] =	ssyncset.done $0x0  }
0x131: {  	[sflag:s30] =	ssyncadd.s32 $0xFFFFE000  }
0x132: {  	_ =	swait.ge [sflag:s30], $0x2000  }
0x133: {  	[sflag:s30] =	ssyncset.done $0x0  }
0x134: {  	[sflag:s30] =	ssyncadd.s32 $0xFFFFE000  }
0x135: {  	[spmem:s3] =	stream.indirect.scatter.add.f32 [tilespmem:s21], [sflag:$0x4], $0x80, s31, s25, $0xb8;
	[tilespmem:$0x1DB00] =	vst v63  }
0x136: {  	_ =	swait.ge [sflag:s2], $0x4000  }
0x137: {  	[sflag:s2] =	ssyncset.done $0x0  }
0x138: {  	s11 =	simm.s32 $0x300;
	[sflag:s2] =	ssyncadd.s32 $0xFFFFC000  }
0x139: {  	[tilespmem:s21], [sflag:$0x2] =	stream.indirect.gather [hbm4b:s0+s18], $0x80, s11, s18, $0xb8;
	[tilespmem:$0x1DB00] =	vst v63  }
0x13a: {  	s12 =	simm.s32 $0x340  }
0x13b: {  	[tilespmem:s23], [sflag:$0x2] =	stream.indirect.gather [hbm4b:s0+s18], $0x80, s12, s18, $0xb8;
	[tilespmem:$0x1DB00] =	vst v63  }
0x13c: {  	_ =	swait.ge [sflag:s24], $0x2000  }
0x13d: {  	[sflag:s24] =	ssyncset.done $0x0  }
0x13e: {  	[sflag:s24] =	ssyncadd.s32 $0xFFFFE000  }
0x13f: {  	_ =	swait.ge [sflag:s24], $0x2000  }
0x140: {  	[sflag:s24] =	ssyncset.done $0x0  }
0x141: {  	s10 =	simm.s32 $0x280;
	[sflag:s24] =	ssyncadd.s32 $0xFFFFE000  }
0x142: {  	[spmem:s3] =	stream.indirect.scatter.add.f32 [tilespmem:s16], [sflag:$0x3], $0x80, s10, s25, $0xb8;
	[tilespmem:$0x1DB00] =	vst v63  }
0x143: {  	_ =	swait.ge [sflag:s26], $0x4000  }
0x144: {  	[sflag:s26] =	ssyncset.done $0x0  }
0x145: {  	s11 =	simm.s32 $0x400;
	[sflag:s26] =	ssyncadd.s32 $0xFFFFC000  }
0x146: {  	[tilespmem:s16], [sflag:$0x1] =	stream.indirect.gather [hbm4b:s0+s18], $0x80, s11, s18, $0xb8;
	[tilespmem:$0x1DB00] =	vst v63  }
0x147: {  	s12 =	simm.s32 $0x440  }
0x148: {  	[tilespmem:s19], [sflag:$0x1] =	stream.indirect.gather [hbm4b:s0+s18], $0x80, s12, s18, $0xb8;
	[tilespmem:$0x1DB00] =	vst v63  }
0x149: {  	_ =	swait.ge [sflag:s30], $0x2000  }
0x14a: {  	[sflag:s30] =	ssyncset.done $0x0  }
0x14b: {  	[sflag:s30] =	ssyncadd.s32 $0xFFFFE000  }
0x14c: {  	_ =	swait.ge [sflag:s30], $0x2000  }
0x14d: {  	[sflag:s30] =	ssyncset.done $0x0  }
0x14e: {  	s9 =	simm.s32 $0x800;
	s10 =	simm.s32 $0x380;
	[sflag:s30] =	ssyncadd.s32 $0xFFFFE000  }
.LBB2_8:
0x14f: {  	[spmem:s3] =	stream.indirect.scatter.add.f32 [tilespmem:s21], [sflag:$0x4], $0x80, s10, s25, $0xb8;
	[tilespmem:$0x1DB00] =	vst v63  }
0x150: {  	s10 =	smov.u32 s9  }
0x151: {  	p1 =	sne.s32 s9, $0x5000;
	s9 =	sadd.s32 $0x800, s9;
	_ =	swait.ge [sflag:s2], $0x4000  }
0x152: {  	s10 =	sshra.s32 s10, $0x2;
	[sflag:s2] =	ssyncset.done $0x0  }
0x153: {  	s11 =	sadd.s32 $0x300, s10;
	[sflag:s2] =	ssyncadd.s32 $0xFFFFC000  }
0x154: {  	[tilespmem:s21], [sflag:$0x2] =	stream.indirect.gather [hbm4b:s0+s18], $0x80, s11, s18, $0xb8;
	[tilespmem:$0x1DB00] =	vst v63  }
0x155: {  	s11 =	sadd.s32 $0x340, s10  }
0x156: {  	[tilespmem:s23], [sflag:$0x2] =	stream.indirect.gather [hbm4b:s0+s18], $0x80, s11, s18, $0xb8;
	[tilespmem:$0x1DB00] =	vst v63  }
0x157: {  	_ =	swait.ge [sflag:s24], $0x2000  }
0x158: {  	[sflag:s24] =	ssyncset.done $0x0  }
0x159: {  	[sflag:s24] =	ssyncadd.s32 $0xFFFFE000  }
0x15a: {  	_ =	swait.ge [sflag:s24], $0x2000  }
0x15b: {  	[sflag:s24] =	ssyncset.done $0x0  }
0x15c: {  	s11 =	sadd.s32 $0x280, s10;
	[sflag:s24] =	ssyncadd.s32 $0xFFFFE000  }
0x15d: {  	[spmem:s3] =	stream.indirect.scatter.add.f32 [tilespmem:s16], [sflag:$0x3], $0x80, s11, s25, $0xb8;
	[tilespmem:$0x1DB00] =	vst v63  }
0x15e: {  	_ =	swait.ge [sflag:s26], $0x4000  }
0x15f: {  	[sflag:s26] =	ssyncset.done $0x0  }
0x160: {  	s11 =	sadd.s32 $0x400, s10;
	[sflag:s26] =	ssyncadd.s32 $0xFFFFC000  }
0x161: {  	[tilespmem:s16], [sflag:$0x1] =	stream.indirect.gather [hbm4b:s0+s18], $0x80, s11, s18, $0xb8;
	[tilespmem:$0x1DB00] =	vst v63  }
0x162: {  	s11 =	sadd.s32 $0x440, s10  }
0x163: {  	[tilespmem:s19], [sflag:$0x1] =	stream.indirect.gather [hbm4b:s0+s18], $0x80, s11, s18, $0xb8;
	[tilespmem:$0x1DB00] =	vst v63  }
0x164: {  	_ =	swait.ge [sflag:s30], $0x2000  }
.Ltmp3:
0x165: {  	[sflag:s30] =	ssyncset.done $0x0;
	(pc) =	sbr.rel @p1 .LBB2_8-.Ltmp3, $4  }
0x166: {  	[sflag:s30] =	ssyncadd.s32 $0xFFFFE000  }
0x167: {  	_ =	swait.ge [sflag:s30], $0x2000  }
0x168: {  	[sflag:s30] =	ssyncset.done $0x0  }
0x169: {  	s10 =	sadd.s32 $0x380, s10;
	[sflag:s30] =	ssyncadd.s32 $0xFFFFE000  }
0x16a: {  	[spmem:s3] =	stream.indirect.scatter.add.f32 [tilespmem:s21], [sflag:$0x4], $0x80, s10, s25, $0xb8;
	[tilespmem:$0x1DB00] =	vst v63  }
0x16b: {  	_ =	swait.ge [sflag:s2], $0x4000  }
0x16c: {  	[sflag:s2] =	ssyncset.done $0x0  }
0x16d: {  	[sflag:s2] =	ssyncadd.s32 $0xFFFFC000  }
0x16e: {  	[tilespmem:s21], [sflag:$0x2] =	stream.indirect.gather [hbm4b:s0+s18], $0x80, s1, s18, $0xb8;
	[tilespmem:$0x1DB00] =	vst v63  }
0x16f: {  	_ = 	snop  }
0x170: {  	[tilespmem:s23], [sflag:$0x2] =	stream.indirect.gather [hbm4b:s0+s18], $0x80, s4, s18, $0xb8;
	[tilespmem:$0x1DB00] =	vst v63  }
0x171: {  	_ =	swait.ge [sflag:s24], $0x2000  }
0x172: {  	[sflag:s24] =	ssyncset.done $0x0  }
0x173: {  	[sflag:s24] =	ssyncadd.s32 $0xFFFFE000  }
0x174: {  	_ =	swait.ge [sflag:s24], $0x2000  }
0x175: {  	[sflag:s24] =	ssyncset.done $0x0  }
0x176: {  	[sflag:s24] =	ssyncadd.s32 $0xFFFFE000  }
0x177: {  	[spmem:s3] =	stream.indirect.scatter.add.f32 [tilespmem:s16], [sflag:$0x3], $0x80, s6, s25, $0xb8;
	[tilespmem:$0x1DB00] =	vst v63  }
0x178: {  	_ =	swait.ge [sflag:s26], $0x4000  }
0x179: {  	[sflag:s26] =	ssyncset.done $0x0  }
0x17a: {  	[sflag:s26] =	ssyncadd.s32 $0xFFFFC000  }
0x17b: {  	_ =	swait.ge [sflag:s30], $0x2000  }
0x17c: {  	[sflag:s30] =	ssyncset.done $0x0  }
0x17d: {  	[sflag:s30] =	ssyncadd.s32 $0xFFFFE000  }
0x17e: {  	_ =	swait.ge [sflag:s30], $0x2000  }
0x17f: {  	[sflag:s30] =	ssyncset.done $0x0  }
0x180: {  	[sflag:s30] =	ssyncadd.s32 $0xFFFFE000  }
0x181: {  	[spmem:s3] =	stream.indirect.scatter.add.f32 [tilespmem:s21], [sflag:$0x4], $0x80, s7, s25, $0xb8;
	[tilespmem:$0x1DB00] =	vst v63  }
0x182: {  	_ =	swait.ge [sflag:s2], $0x4000  }
0x183: {  	s9 =	simm.s32 @!p0 $0x0;
	[sflag:s2] =	ssyncset.done $0x0  }
0x184: {  	s10 =	simm.s32 @!p0 $0x1A00;
	s11 =	rddreg [dreg:$0x8];
	[sflag:s2] =	ssyncadd.s32 $0xFFFFC000  }
0x185: {  	[tilespmem:s10], [sflag:$0x5] =	stream.linear.gather @!p0 [hbm4b:s11+s9], $0x100, $0x38;
	[tilespmem:$0x1DB00] =	vst v63  }
0x186: {  	s9 =	simm.s32 @!p0 $0x5  }
0x187: {  	_ =	swait.ge @!p0 [sflag:s9], $0x100  }
0x188: {  	[sflag:s9] =	ssyncset.done @!p0 $0x0  }
0x189: {  	s11 =	simm.s32 @!p0 $0x1B00;
	[sflag:s9] =	ssyncadd.s32 @!p0 $0xFFFFFF00;
	s9 =	simm.s32 @!p0 $0x40  }
0x18a: {  	[tilespmem:s11], [sflag:$0x1] =	stream.indirect.gather @!p0 [hbm4b:s0+s9], $0x80, s10, s9, $0xb8;
	[tilespmem:$0x1DB00] =	vst v63  }
0x18b: {  	s12 =	simm.s32 @!p0 $0x3B00;
	s10 =	simm.s32 @!p0 $0x1A40  }
0x18c: {  	[tilespmem:s12], [sflag:$0x1] =	stream.indirect.gather @!p0 [hbm4b:s0+s9], $0x80, s10, s9, $0xb8;
	[tilespmem:$0x1DB00] =	vst v63  }
0x18d: {  	s9 =	simm.s32 @!p0 $0x1  }
0x18e: {  	_ =	swait.ge @!p0 [sflag:s9], $0x2000  }
0x18f: {  	[sflag:s9] =	ssyncset.done @!p0 $0x0  }
0x190: {  	[sflag:s9] =	ssyncadd.s32 @!p0 $0xFFFFE000  }
0x191: {  	_ =	swait.ge @!p0 [sflag:s9], $0x2000  }
0x192: {  	[sflag:s9] =	ssyncset.done @!p0 $0x0  }
0x193: {  	s10 =	simm.s32 @!p0 $0x1A80;
	[sflag:s9] =	ssyncadd.s32 @!p0 $0xFFFFE000;
	s9 =	simm.s32 @!p0 $0x80  }
0x194: {  	[spmem:s3] =	stream.indirect.scatter.add.f32 @!p0 [tilespmem:s11], [sflag:$0x3], $0x80, s10, s9, $0xb8;
	[tilespmem:$0x1DB00] =	vst v63  }
0x195: {  	s9 =	simm.s32 @!p0 $0x3  }
0x196: {  	_ =	swait.ge @!p0 [sflag:s9], $0x4000  }
0x197: {  	[sflag:s9] =	ssyncset.done @!p0 $0x0  }
0x198: {  	s10 =	stileid.u32;
	[sflag:s9] =	ssyncadd.s32 @!p0 $0xFFFFC000  }
0x199: {  	s9 =	sshll.u32 s10, $0x6;
	[bflag:$0x0] =	sbarrier.arrive $0xFFFF  }
0x19a: {  	s11 =	sshrl.u32 s5, $0x3;
	s9 =	sor.u32 $0x1C05, s9;
	s12 =	rddreg [dreg:$0x9]  }
0x19b: {  	[hbm:s12], [sflag:s9] =	dma.local [spmem:s11], $0x2800  }
0x19c: {  	_ =	swait.ge [sflag:s17], $0x2800  }
0x19d: {  	s8 =	sadd.s32 $0x1, s8;
	s12 =	rddreg [dreg:$0xa]  }
0x19e: {  	p1 =	sne.s32 s8, s12  }
.Ltmp4:
0x19f: {  	_ = 	snop;
	(pc) =	sbr.rel @p1 .LBB2_1-.Ltmp4, $3  }
0x1a0: {  	_ =	sdelay $0x1  }
0x1a1: {  	[sflag:s17] =	ssyncset.done $0x0  }
0x1a2: {  	[sflag:s17] =	ssyncadd.s32 $0xFFFFD800  }
0x1a3: {  	_ =	sfence.sel $0x180000  }
0x1a4: {  	[bflag:$0x0] =	sbarrier.arrive $0xFFFF  }
0x1a5: {  	_ =	strace $0x9000004A  }
0x1a6: {  	s0 =	stileid.u32;
	[bflag:$0x2] =	sbarrier.arrive $0xFFFF  }
0x1a7: {  	p0 =	sne.s32 s0, $0x0;
	s0 =	rddreg [dreg:$0x4]  }
0x1a8: {  	s0 =	sadd.s32 @!p0 $0x100000, s0  }
0x1a9: {  	[sflag:s0] =	ssyncadd.tile.s32 @!p0 $0x1;
	_ =	shalt  }
.Lfunc_end2:
_tile_overlayer_lowered:
.L_overlay_start_2:
0x1aa: {  	(tag) =	ssettag $0x2  }
0x1ab: {  	s0 =	rddreg [dreg:$0x0];
	s2 =	stileid.u32  }
0x1ac: {  	s1 =	rddreg [dreg:$0x1];
	p0 =	sne.s32 s2, $0x0  }
0x1ad: {  	s3 =	rddreg [dreg:$0x2];
	[bflag:$0x3] =	sbarrier.arrive $0xFFFF;
	s2 =	simm.s32 @!p0 $0x1C05  }
0x1ae: {  	[timem:s3], [sflag:s2] =	dma.local @!p0 [hbm:s0], s1  }
0x1af: {  	s0 =	simm.s32 @!p0 $0x5  }
0x1b0: {  	_ =	swait.ge @!p0 [sflag:s0], s1  }
0x1b1: {  	s1 =	ssub.s32 @!p0 $0x0, s1;
	[sflag:s0] =	ssyncset.done @!p0 $0x0  }
0x1b2: {  	[sflag:s0] =	ssyncadd.s32 @!p0 s1  }
0x1b3: {  	[bflag:$0x3] =	sbarrier.arrive $0xFFFF  }
0x1b4: {  	_ =	shalt  }

// kernel: kernel.7.cloned.1.call-start
scs
__scs_entry_jumppad:
0x0: {  	(pc) =	sbr.rel $0x88, $3  }
0x1: {  	(tag) =	ssettag $0x0;
	lr =	simm.s32 $0x1  }
0x2: {  	[smem:$0x3F99] =	sst lr;
	_ =	strace $0xD0000000  }
0x3: {  	_ = 	snop  }
0x4: {  	_ = 	snop  }
0x5: {  	_ = 	snop  }
0x6: {  	_ = 	snop  }
0x7: {  	_ = 	snop  }
__scs_overlays_trampoline_lowered:
0x8: {  	[smem:$0x3FA8] =	sst s0  }
0x9: {  	[smem:$0x3FA9] =	sst s1  }
0xa: {  	[smem:$0x3FAA] =	sst s2  }
0xb: {  	[smem:$0x3FAB] =	sst s3  }
0xc: {  	[smem:$0x3FAC] =	sst s4  }
0xd: {  	[smem:$0x3FAD] =	sst s5  }
0xe: {  	[smem:$0x3FAE] =	sst s6  }
0xf: {  	[smem:$0x3FAF] =	sst s7  }
0x10: {  	[smem:$0x3FB0] =	sst s8  }
0x11: {  	[smem:$0x3FB1] =	sst s9;
	s0 =	simm.s32 @!p0 $0x0  }
0x12: {  	s1 =	sld [smem:$0x3F97];
	s0 =	simm.s32 @p0 $0x1  }
0x13: {  	[smem:$0x3FB2] =	sst s0;
	s0 =	simm.s32 @!p1 $0x0  }
0x14: {  	s2 =	sld [smem:$0x3F96];
	s0 =	simm.s32 @p1 $0x1  }
0x15: {  	[smem:$0x3FB3] =	sst s0;
	s0 =	simm.s32 @!p2 $0x0  }
0x16: {  	s3 =	sld [smem:$0x3FDB];
	s0 =	simm.s32 @p2 $0x1  }
0x17: {  	s4 =	simm.s32 $0x1BF5;
	[smem:$0x3FB5] =	sst s0  }
0x18: {  	s0 =	sld [smem:$0x3F98];
	_ =	swait.ge [sflag:s4], $0x0  }
0x19: {  	s7 =	sld [smem:$0x3F99]  }
0x1a: {  	s8 =	sadd.s32 $0xFFFFE003, lr  }
0x1b: {  	s9 =	sadd.s32 $0xFFFFFEF7, lr;
	s5 =	simm.s32 $0xFFFFFFFF;
	p2 =	slt.u32 s8, $0xFFFFF086  }
0x1c: {  	p1 =	slt.u32 s9, $0xF7A;
	s5 =	simm.s32 @!p2 $0x0  }
0x1d: {  	s5 =	simm.s32 @p1 $0x1;
	p0 =	seq.s32 s7, s2  }
0x1e: {  	s7 =	smul.u32 @!p0 $0xF7A, s2;
	p2 =	seq.s32 @!p0 s5, $0x0  }
0x1f: {  	s9 =	smul.u32 $0xF7A, s1;
	s8 =	simm.s32 @!p0 $0x1BF5;
	p2 =	por !p2, p0  }
0x20: {  	[sflag:s8] =	ssyncset.s32 @!p0 $0xFFFFF086;
	s6 =	sadd.s32 @!p0 s3, s7;
	s7 =	simm.s32 @!p0 $0x108  }
0x21: {  	s3 =	sadd.s32 s3, s9;
	s6 =	sadd.s32 @!p0 $0x88, s6;
	s7 =	simm.s32 @p2 $0x1082  }
0x22: {  	[simem:s7], [sflag:s8] =	dma.local @!p0 [hbm:s6], $0xF7A  }
0x23: {  	s9 =	sor.u32 $0xD0000000, s2;
	s6 =	simm.s32 $0x108;
	_ =	swait.ge @!p0 [sflag:s8], $0x0  }
0x24: {  	s3 =	sadd.s32 $0x88, s3;
	s6 =	simm.s32 @!p1 $0x1082;
	[sflag:s4] =	ssyncset.s32 $0xFFFFF086  }
0x25: {  	[simem:s6], [sflag:s4] =	dma.local [hbm:s3], $0xF7A  }
0x26: {  	[smem:$0x3F99] =	sst s1;
	(tag) =	ssettag s2;
	_ =	strace s9  }
0x27: {  	s1 =	sld [smem:$0x3FA9]  }
0x28: {  	s2 =	sld [smem:$0x3FAA]  }
0x29: {  	s4 =	sld [smem:$0x3FAC]  }
0x2a: {  	p0 =	seq.s32 s5, $0x0;
	s5 =	sld [smem:$0x3FAD]  }
0x2b: {  	s6 =	sld [smem:$0x3FAE]  }
0x2c: {  	s7 =	sld [smem:$0x3FAF]  }
0x2d: {  	s3 =	simm.s32 $0x108;
	s8 =	sld [smem:$0x3FB0]  }
0x2e: {  	s3 =	simm.s32 @!p0 $0x1082;
	s9 =	sld [smem:$0x3FB1]  }
0x2f: {  	lr =	sadd.s32 s0, s3;
	s0 =	sld [smem:$0x3FA8]  }
0x30: {  	s3 =	sld [smem:$0x3FAB]  }
0x31: {  	[smem:$0x3FB4] =	sst s10  }
0x32: {  	s10 =	sld [smem:$0x3FB2];
	_ =	sdelay $0x3  }
0x33: {  	p0 =	seq.s32 s10, $0x1;
	s10 =	sld [smem:$0x3FB4];
	_ =	sdelay $0x3  }
0x34: {  	[smem:$0x3FB4] =	sst s10  }
0x35: {  	s10 =	sld [smem:$0x3FB3];
	_ =	sdelay $0x3  }
0x36: {  	p1 =	seq.s32 s10, $0x1;
	s10 =	sld [smem:$0x3FB4];
	_ =	sdelay $0x3  }
0x37: {  	[smem:$0x3FB4] =	sst s10  }
0x38: {  	s10 =	sld [smem:$0x3FB5]  }
0x39: {  	_ = 	snop;
	(pc) =	sbr.ind lr, $3  }
0x3a: {  	_ = 	snop  }
0x3b: {  	_ = 	snop  }
0x3c: {  	p2 =	seq.s32 s10, $0x1;
	s10 =	sld [smem:$0x3FB4]  }
0x3d: {  	_ =	shalt  }
0x3e: {  	_ =	shalt  }
0x3f: {  	_ =	shalt  }
0x40: {  	_ =	shalt  }
0x41: {  	_ =	shalt  }
0x42: {  	_ =	shalt  }
0x43: {  	_ =	shalt  }
0x44: {  	_ =	shalt  }
0x45: {  	_ =	shalt  }
0x46: {  	_ =	shalt  }
0x47: {  	_ =	shalt  }
0x48: {  	_ =	shalt  }
0x49: {  	_ =	shalt  }
0x4a: {  	_ =	shalt  }
0x4b: {  	_ =	shalt  }
0x4c: {  	_ =	shalt  }
0x4d: {  	_ =	shalt  }
0x4e: {  	_ =	shalt  }
0x4f: {  	_ =	shalt  }
0x50: {  	_ =	shalt  }
0x51: {  	_ =	shalt  }
0x52: {  	_ =	shalt  }
0x53: {  	_ =	shalt  }
0x54: {  	_ =	shalt  }
0x55: {  	_ =	shalt  }
0x56: {  	_ =	shalt  }
0x57: {  	_ =	shalt  }
0x58: {  	_ =	shalt  }
0x59: {  	_ =	shalt  }
0x5a: {  	_ =	shalt  }
0x5b: {  	_ =	shalt  }
0x5c: {  	_ =	shalt  }
0x5d: {  	_ =	shalt  }
0x5e: {  	_ =	shalt  }
0x5f: {  	_ =	shalt  }
0x60: {  	_ =	shalt  }
0x61: {  	_ =	shalt  }
0x62: {  	_ =	shalt  }
0x63: {  	_ =	shalt  }
0x64: {  	_ =	shalt  }
0x65: {  	_ =	shalt  }
0x66: {  	_ =	shalt  }
0x67: {  	_ =	shalt  }
0x68: {  	_ =	shalt  }
0x69: {  	_ =	shalt  }
0x6a: {  	_ =	shalt  }
0x6b: {  	_ =	shalt  }
0x6c: {  	_ =	shalt  }
0x6d: {  	_ =	shalt  }
0x6e: {  	_ =	shalt  }
0x6f: {  	_ =	shalt  }
0x70: {  	_ =	shalt  }
0x71: {  	_ =	shalt  }
0x72: {  	_ =	shalt  }
0x73: {  	_ =	shalt  }
0x74: {  	_ =	shalt  }
0x75: {  	_ =	shalt  }
0x76: {  	_ =	shalt  }
0x77: {  	_ =	shalt  }
0x78: {  	_ =	shalt  }
0x79: {  	_ =	shalt  }
0x7a: {  	_ =	shalt  }
0x7b: {  	_ =	shalt  }
0x7c: {  	_ =	shalt  }
0x7d: {  	_ =	shalt  }
0x7e: {  	_ =	shalt  }
0x7f: {  	_ =	shalt  }
0x80: {  	_ =	shalt  }
0x81: {  	_ =	shalt  }
0x82: {  	_ =	shalt  }
0x83: {  	_ =	shalt  }
0x84: {  	_ =	shalt  }
0x85: {  	_ =	shalt  }
0x86: {  	_ =	shalt  }
0x87: {  	_ =	shalt  }
.Lfunc_end0:
.L_simem_size_0:
called_computation_lowered:
.L_overlay_start_0:
0x88: {  	s2 =	sld [smem:$0x3FD9]  }
0x89: {  	s3 =	sld [smem:$0x3FFE];
	_ =	sdelay $0x1  }
0x8a: {  	s1 =	srdreg.scid  }
0x8b: {  	s0 =	sand.u32 $0x1, s1  }
0x8c: {  	s18 =	sshll.u32 s0, $0xA;
	s2 =	sadd.s32 s3, s2  }
0x8d: {  	s2 =	sadd.s32 s2, s18  }
0x8e: {  	[smem:$0x3FC0] =	sst s2  }
0x8f: {  	_ = 	snop  }
0x90: {  	s2 =	sld [smem:$0x3FC8]  }
0x91: {  	s19 =	sld [smem:$0x3FD0];
	(tm) =	ssettm $0x1  }
0x92: {  	s4 =	sld [smem:$0x3FFB];
	_ =	sdelay $0x3  }
0x93: {  	_ =	strace s4  }
0x94: {  	s4 =	sld [smem:$0x3FFC];
	_ =	sdelay $0x3  }
0x95: {  	_ =	strace s4  }
0x96: {  	s4 =	sld [smem:$0x3FFD];
	_ =	sdelay $0x3  }
0x97: {  	_ =	strace s4  }
0x98: {  	_ =	strace $0x8FFFFFFF  }
0x99: {  	s20 =	sld [smem:$0x3FDB];
	_ =	sdelay $0x1  }
0x9a: {  	s5 =	simm.s32 $_scs_section_size  }
0x9b: {  	s6 =	simm.s32 $_size__tile_overlayer_lowered;
	s7 =	simm.s32 $_tile_overlayer_lowered  }
0x9c: {  	s23 =	simm.s32 $0x1BFF;
	s22 =	sshll.u32 s7, $0x1;
	s4 =	sadd.s32 s5, s20  }
0x9d: {  	s8 =	simm.s32 $0x0;
	s21 =	sshll.u32 s6, $0x1;
	s6 =	sadd.s32 s22, s4  }
0x9e: {  	[timem:s8], [sflag:s23] =	dma.local [hbm:s6], s21  }
0x9f: {  	_ =	swait.ge [sflag:s23], s21  }
0xa0: {  	s5 =	ssub.s32 $0x0, s21;
	[sflag:s23] =	ssyncset.done $0x0  }
0xa1: {  	[sflag:s23] =	ssyncadd.s32 s5;
	_ =	sdelay $0x1  }
0xa2: {  	s24 =	simm.s32 $0x1B8B  }
0xa3: {  	_ =	swait.ge [sflag:s24], $0x1  }
0xa4: {  	[sflag:s24] =	ssyncset.done $0x0  }
0xa5: {  	s25 =	simm.s32 $0x1B8E;
	[sflag:s24] =	ssyncadd.s32 $0xFFFFFFFF  }
0xa6: {  	s26 =	simm.s32 $execute0_lowered;
	[smem:$0x3FD2] =	sst s25  }
0xa7: {  	s5 =	sshll.u32 s26, $0x1;
	_ =	strace $0x80000046;
	[dreg:$0x1] =	wrdreg $0xFFFFFFFF  }
0xa8: {  	s28 =	simm.s32 $_size_execute0_lowered;
	s4 =	sadd.s32 s4, s5;
	[dreg:$0x0] =	wrdreg $0x0  }
0xa9: {  	s5 =	sshll.u32 s28, $0x1;
	[dreg:$0x2] =	wrdreg s4  }
0xaa: {  	[dreg:$0x3] =	wrdreg s5  }
0xab: {  	[dreg:$0x4] =	wrdreg $0xC0  }
0xac: {  	_ =	task [dreg:s8], $0x5FFFF  }
0xad: {  	[dreg:$0x1] =	wrdreg $0xFFFFFFFF  }
0xae: {  	[dreg:$0x0] =	wrdreg $0x60  }
0xaf: {  	[dreg:$0x2] =	wrdreg s2  }
0xb0: {  	[dreg:$0x3] =	wrdreg s19  }
0xb1: {  	[dreg:$0x4] =	wrdreg $0x52000  }
0xb2: {  	[dreg:$0x5] =	wrdreg $0x9  }
0xb3: {  	_ =	task.clear_ibuf [dreg:s8], $0x6FFFF;
	_ =	strace $0x90000046  }
0xb4: {  	s29 =	simm.s32 $0x9;
	_ =	strace $0x80000048  }
0xb5: {  	_ =	swait.ge [sflag:s29], $0x1  }
0xb6: {  	[sflag:s29] =	ssyncadd.s32 $0xFFFFFFFF  }
0xb7: {  	_ =	strace $0x90000048  }
0xb8: {  	_ =	sfence  }
0xb9: {  	s30 =	sld [smem:$0x0];
	_ =	sdelay $0x2  }
0xba: {  	s31 =	sshll.u32 s1, $0xD;
	s1 =	sshrl.u32 s1, $0x2  }
0xbb: {  	s3 =	sand.u32 $0x4000, s31;
	s1 =	sadd.s32 s1, s30  }
0xbc: {  	s0 =	sor.u32 s3, s0;
	s1 =	sshll.u32 s1, $0x11  }
0xbd: {  	s0 =	sor.u32 s1, s0  }
0xbe: {  	s0 =	sadd.s32 $0x8F2B, s0  }
0xbf: {  	[sflag:s0] =	ssyncadd.remote.s32 $0x1  }
0xc0: {  	_ =	sfence.sel $0xFFFF  }
0xc1: {  	[dreg:$0x0] =	wrdreg $0xFFFFFFFF;
	(pc) =	sbr.abs _section_cstart, $3  }
0xc2: {  	[dreg:$0x1] =	wrdreg $0xFFFFFFFF  }
0xc3: {  	_ =	task.clear_ibuf [dreg:s8], $0x2FFFF;
	_ =	strace $0x9FFFFFFF  }
0xc4: {  	(tm) =	ssettm $0x7FFFFFFF  }
0xc5: {  	_ =	shalt  }
tec
execute0_lowered:
.L_overlay_start_1:
0x0: {  	(tag) =	ssettag $0x1  }
0x1: {  	s6 =	rddreg [dreg:$0x0]  }
0x2: {  	s7 =	rddreg [dreg:$0x1]  }
0x3: {  	s1 =	rddreg [dreg:$0x2]  }
0x4: {  	s0 =	rddreg [dreg:$0x3];
	s2 =	simm.s32 $0x0  }
0x5: {  	s3 =	srdreg.scid;
	s13 =	simm.s32 $0x1;
	s16 =	simm.s32 $0x20  }
0x6: {  	s17 =	simm.s32 $0x10;
	s18 =	simm.s32 $0x0;
	[smem:$0x7FF] =	sst s2  }
0x7: {  	s4 =	sand.u32 $0x1, s3;
	s3 =	stileid.u32;
	_ =	strace $0x80000047  }
0x8: {  	s5 =	ssub.s32 $0x2, s4;
	s9 =	sshll.u32 s3, $0x1;
	s10 =	smul.u32 $0xA00, s3  }
0x9: {  	s30 =	smul.u32 $0x500, s3;
	s12 =	sshll.u32 s4, $0x7;
	p0 =	sgt.u32 s3, $0x1  }
0xa: {  	s14 =	sshll.u32 s3, $0x6;
	s8 =	sshrl.u32 s5, $0x1;
	s29 =	sor.u32 s4, s9  }
0xb: {  	s14 =	sor.u32 $0x1C02, s14;
	s8 =	ssub.s32 s5, s8;
	s10 =	sshrl.u32 s10, $0x2  }
0xc: {  	s11 =	smul.u32 $0x9C0, s29;
	s31 =	sshll.u32 s29, $0x5;
	s9 =	sor.u32 s12, s30  }
0xd: {  	s12 =	simm.s32 $0x4F00;
	s4 =	sadd.s32 s10, s1;
	s9 =	sshrl.u32 s9, $0x3  }
0xe: {  	s8 =	smax.u32 s8, $0x1;
	s10 =	simm.s32 $0x2;
	s5 =	sadd.s32 s6, s11  }
0xf: {  	s6 =	sadd.s32 s31, s6;
	s7 =	sadd.s32 s7, s9;
	s9 =	simm.s32 $0x4F80  }
0x10: {  	v0 =	vimm.f32 $0.0e+00;
	v1 =	vimm.f32 $1.000000000e+00;
	s11 =	simm.s32 $0x80;
	s15 =	sshrl.u32 s4, $0x3;
	s6 =	sadd.s32 $0x13800, s6  }
.LBB2_1:
0x11: {  	[tilespmem:$0x4F80] =	vst v0  }
0x12: {  	[tilespmem:$0x4F90] =	vst v0  }
0x13: {  	[tilespmem:$0x4FA0] =	vst v0  }
0x14: {  	[tilespmem:$0x4FB0] =	vst v0  }
0x15: {  	[tilespmem:$0x4FC0] =	vst v0  }
0x16: {  	[tilespmem:$0x4FD0] =	vst v0  }
0x17: {  	[tilespmem:$0x4FE0] =	vst v0  }
0x18: {  	[tilespmem:$0x4FF0] =	vst v0  }
0x19: {  	[tilespmem:$0x5000] =	vst v0  }
0x1a: {  	[tilespmem:$0x5010] =	vst v0  }
0x1b: {  	[tilespmem:$0x5020] =	vst v0  }
0x1c: {  	[tilespmem:$0x5030] =	vst v0  }
0x1d: {  	[tilespmem:$0x5040] =	vst v0  }
0x1e: {  	[tilespmem:$0x5050] =	vst v0  }
0x1f: {  	[tilespmem:$0x5060] =	vst v0  }
0x20: {  	[tilespmem:$0x5070] =	vst v0  }
0x21: {  	[tilespmem:$0x5080] =	vst v0  }
0x22: {  	[tilespmem:$0x5090] =	vst v0  }
0x23: {  	[tilespmem:$0x50A0] =	vst v0  }
0x24: {  	[tilespmem:$0x50B0] =	vst v0  }
0x25: {  	[tilespmem:$0x50C0] =	vst v0  }
0x26: {  	[tilespmem:$0x50D0] =	vst v0  }
0x27: {  	[tilespmem:$0x50E0] =	vst v0  }
0x28: {  	[tilespmem:$0x50F0] =	vst v0  }
0x29: {  	[tilespmem:$0x5100] =	vst v0  }
0x2a: {  	[tilespmem:$0x5110] =	vst v0  }
0x2b: {  	[tilespmem:$0x5120] =	vst v0  }
0x2c: {  	[tilespmem:$0x5130] =	vst v0  }
0x2d: {  	[tilespmem:$0x5140] =	vst v0  }
0x2e: {  	[tilespmem:$0x5150] =	vst v0  }
0x2f: {  	[tilespmem:$0x5160] =	vst v0  }
0x30: {  	[tilespmem:$0x5170] =	vst v0  }
0x31: {  	[tilespmem:$0x5180] =	vst v0  }
0x32: {  	[tilespmem:$0x5190] =	vst v0  }
0x33: {  	[tilespmem:$0x51A0] =	vst v0  }
0x34: {  	[tilespmem:$0x51B0] =	vst v0  }
0x35: {  	[tilespmem:$0x51C0] =	vst v0  }
0x36: {  	[tilespmem:$0x51D0] =	vst v0  }
0x37: {  	[tilespmem:$0x51E0] =	vst v0  }
0x38: {  	[tilespmem:$0x51F0] =	vst v0  }
0x39: {  	[tilespmem:$0x4F00] =	vst v1  }
0x3a: {  	[tilespmem:$0x4F10] =	vst v1  }
0x3b: {  	[tilespmem:$0x4F20] =	vst v1  }
0x3c: {  	[tilespmem:$0x4F30] =	vst v1  }
0x3d: {  	[tilespmem:$0x4F40] =	vst v1  }
0x3e: {  	[tilespmem:$0x4F50] =	vst v1  }
0x3f: {  	[tilespmem:$0x4F60] =	vst v1  }
0x40: {  	[tilespmem:$0x4F70] =	vst v1  }
0x41: {  	[spmem:s4] =	stream.linear.scatter [tilespmem:s9], [sflag:$0x2], $0x280, $0x38;
	[tilespmem:$0x5480] =	vst v63  }
0x42: {  	_ =	swait.ge [sflag:s10], $0x280  }
0x43: {  	[sflag:s10] =	ssyncset.done $0x0  }
0x44: {  	[sflag:s10] =	ssyncadd.s32 $0xFFFFFD80  }
0x45: {  	[bflag:$0x0] =	sbarrier.arrive $0xFFFF  }
0x46: {  	[tilespmem:s2], [sflag:$0x2] =	stream.linear.gather [hbm4b:s5+s2], $0x4E00, $0x38;
	[tilespmem:$0x5480] =	vst v63  }
0x47: {  	_ =	swait.ge [sflag:s10], $0x4E00  }
0x48: {  	[sflag:s10] =	ssyncset.done $0x0  }
0x49: {  	s19 =	simm.s32 @!p0 $0x0;
	s20 =	simm.s32 @!p0 $0x4E00;
	[sflag:s10] =	ssyncadd.s32 $0xFFFFB200  }
0x4a: {  	[tilespmem:s20], [sflag:$0x2] =	stream.linear.gather @!p0 [hbm4b:s6+s19], $0x100, $0x38;
	[tilespmem:$0x5480] =	vst v63  }
0x4b: {  	s19 =	simm.s32 @!p0 $0x2  }
0x4c: {  	_ =	swait.ge @!p0 [sflag:s19], $0x100  }
0x4d: {  	[sflag:s19] =	ssyncset.done @!p0 $0x0  }
0x4e: {  	s20 =	simm.s32 $0x80;
	[sflag:s19] =	ssyncadd.s32 @!p0 $0xFFFFFF00;
	s19 =	simm.s32 $0x600  }
.LBB2_2:
0x4f: {  	[spmem:s1] =	stream.indirect.scatter.add.f32 [tilespmem:s12], [sflag:$0x1], $0x1, s20, s11, $0xb8;
	[tilespmem:$0x5480] =	vst v63  }
0x50: {  	s20 =	smov.u32 s19;
	p1 =	sne.s32 s19, $0x13600  }
.Ltmp0:
0x51: {  	s19 =	sadd.s32 $0x400, s19;
	(pc) =	sbr.rel @p1 .LBB2_2-.Ltmp0, $2  }
0x52: {  	_ =	sdelay $0x2  }
0x53: {  	s20 =	sshra.s32 s20, $0x2  }
0x54: {  	[spmem:s1] =	stream.indirect.scatter.add.f32 [tilespmem:s12], [sflag:$0x1], $0x1, s20, s11, $0xb8;
	[tilespmem:$0x5480] =	vst v63  }
0x55: {  	s19 =	simm.s32 @!p0 $0x80;
	s20 =	simm.s32 @!p0 $0x4E80;
	s21 =	simm.s32 @!p0 $0x4F00  }
0x56: {  	[spmem:s1] =	stream.indirect.scatter.add.f32 @!p0 [tilespmem:s21], [sflag:$0x1], $0x1, s20, s19, $0xb8;
	[tilespmem:$0x5480] =	vst v63  }
0x57: {  	s19 =	simm.s32 @!p0 $0x1  }
0x58: {  	_ =	swait.ge @!p0 [sflag:s19], $0x80  }
0x59: {  	[sflag:s19] =	ssyncset.done @!p0 $0x0  }
0x5a: {  	[sflag:s19] =	ssyncadd.s32 @!p0 $0xFFFFFF80  }
0x5b: {  	_ =	swait.ge [sflag:s13], $0x80  }
0x5c: {  	s19 =	simm.s32 $0x4D;
	[sflag:s13] =	ssyncset.done $0x0  }
.LBB2_4:
0x5d: {  	p1 =	sne.s32 s19, $0x1;
	s19 =	sadd.s32 $0xFFFFFFFF, s19;
	[sflag:s13] =	ssyncadd.s32 $0xFFFFFF80  }
.Ltmp1:
0x5e: {  	(pc) =	sbr.rel @p1 .LBB2_4-.Ltmp1, $3  }
0x5f: {  	_ =	sdelay $0x1  }
0x60: {  	_ =	swait.ge [sflag:s13], $0x80  }
0x61: {  	[sflag:s13] =	ssyncset.done $0x0  }
0x62: {  	s18 =	sadd.s32 $0x1, s18  }
0x63: {  	[sflag:s13] =	ssyncadd.s32 $0xFFFFFF80;
	p1 =	sne.s32 s18, s8  }
.Ltmp2:
0x64: {  	[bflag:$0x0] =	sbarrier.arrive $0xFFFF;
	(pc) =	sbr.rel @p1 .LBB2_1-.Ltmp2, $4  }
0x65: {  	[hbm:s7@s16], [sflag:s14] =	dma.strided [spmem:s15@s17], $0x50, s13, $0x10   }
0x66: {  	_ =	swait.ge [sflag:s10], $0x50  }
0x67: {  	[sflag:s10] =	ssyncset.done $0x0  }
0x68: {  	[sflag:s10] =	ssyncadd.s32 $0xFFFFFFB0  }
0x69: {  	_ =	sfence.sel $0x180000  }
0x6a: {  	[bflag:$0x0] =	sbarrier.arrive $0xFFFF  }
0x6b: {  	p0 =	sne.s32 s3, $0x0;
	_ =	strace $0x90000047  }
0x6c: {  	s0 =	sadd.s32 @!p0 $0x100000, s0;
	[bflag:$0x2] =	sbarrier.arrive $0xFFFF  }
0x6d: {  	[sflag:s0] =	ssyncadd.tile.s32 @!p0 $0x1;
	_ =	shalt  }
.Lfunc_end2:
_tile_overlayer_lowered:
.L_overlay_start_2:
0x6e: {  	(tag) =	ssettag $0x2  }
0x6f: {  	s0 =	rddreg [dreg:$0x0];
	s2 =	stileid.u32  }
0x70: {  	s1 =	rddreg [dreg:$0x1];
	p0 =	sne.s32 s2, $0x0  }
0x71: {  	s3 =	rddreg [dreg:$0x2];
	[bflag:$0x3] =	sbarrier.arrive $0xFFFF;
	s2 =	simm.s32 @!p0 $0x1C02  }
0x72: {  	[timem:s3], [sflag:s2] =	dma.local @!p0 [hbm:s0], s1  }
0x73: {  	s0 =	simm.s32 @!p0 $0x2  }
0x74: {  	_ =	swait.ge @!p0 [sflag:s0], s1  }
0x75: {  	s1 =	ssub.s32 @!p0 $0x0, s1;
	[sflag:s0] =	ssyncset.done @!p0 $0x0  }
0x76: {  	[sflag:s0] =	ssyncadd.s32 @!p0 s1  }
0x77: {  	[bflag:$0x3] =	sbarrier.arrive $0xFFFF  }
0x78: {  	_ =	shalt  }

</sc_bundles>
